<compile_context>
chip_gen: v7x
topology: tpu7x:2x2x1
jax: 0.10.2.dev20260603
libtpu: 0.0.44.dev20260713+nightly
codegen_flags: <defaults>
</compile_context>

<pallas_src>
import functools

import jax
import jax.numpy as jnp
from jax import lax
from jax.experimental import pallas as pl
from jax.experimental.pallas import tpu as pltpu
from jax.experimental.pallas import tpu_sc as plsc

N_NODES = 10000
N_EDGES = 320000
D_FEAT = 128
DIM = 32
N_GRAPHS = 64

NC = 2
NS = 16
NW = NC * NS
CH = 128
NCH = 80
EPAD = NW * NCH * CH
NP = 10240
RPS = NP // NS
PROW = N_NODES * DIM // 128


def _mm_body(x_ref, wr_ref, wrt_ref, brel_ref, y_ref, r_ref):
    dn = (((1,), (1,)), ((), ()))
    x = x_ref[...]
    y = lax.dot_general(x, wr_ref[...], dn,
                        preferred_element_type=jnp.float32)
    y_ref[...] = y.astype(jnp.bfloat16)
    r = lax.dot_general(x, wrt_ref[...], dn,
                        preferred_element_type=jnp.float32) + brel_ref[...]
    r_ref[...] = jnp.concatenate(
        [r, jnp.zeros((NP - N_NODES, DIM), jnp.float32)], axis=0)


def _sc_agg_body(y_hbm, ei_hbm, w_hbm, r_hbm, out_hbm,
                 src_v, dst_v, w_v, rows0_v, rows1_v, f0_v, f1_v,
                 agg_sh, sem0, sem1, sems0, sems1):
    c = lax.axis_index("c")
    s = lax.axis_index("s")
    wid = c * NS + s

    @pl.when(c == 0)
    def _():
        pltpu.sync_copy(r_hbm.at[pl.ds(s * RPS, RPS)],
                        agg_sh.at[pl.ds(s * RPS, RPS)])

    @pl.when(c != 0)
    def _():
        zv = jnp.zeros((16,), jnp.float32)

        def zrow(i, _):
            f0_v[i, pl.ds(0, 16)] = zv
            f0_v[i, pl.ds(16, 16)] = zv
            return 0

        lax.fori_loop(0, CH, zrow, 0)
        for q in range(RPS // CH):
            pltpu.sync_copy(f0_v, agg_sh.at[pl.ds(s * RPS + q * CH, CH)])

    plsc.subcore_barrier()

    pltpu.sync_copy(ei_hbm.at[wid], src_v)
    pltpu.sync_copy(ei_hbm.at[NW + wid], dst_v)
    pltpu.sync_copy(w_hbm.at[wid], w_v)

    mask_hi = jnp.uint32(0xFFFF0000)

    def scale(rows_v, f_v, j):
        def group_body(g, _):
            base = g * 16
            wv = w_v[j, pl.ds(base, 16)]
            for k in range(16):
                ws = wv[k]
                u = plsc.bitcast(rows_v[base + k, :], jnp.uint32)
                lo = plsc.bitcast(u << 16, jnp.float32)
                hi = plsc.bitcast(u & mask_hi, jnp.float32)
                f_v[base + k, pl.ds(0, 16)] = lo * ws
                f_v[base + k, pl.ds(16, 16)] = hi * ws
            return 0

        lax.fori_loop(0, CH // 16, group_body, 0)

    def wait(rows_v, sem):
        pltpu.make_async_copy(y_hbm.at[pl.ds(0, CH)], rows_v, sem).wait()

    pltpu.async_copy(y_hbm.at[src_v.at[0]], rows0_v, sem0)

    def wait_sc(f_v, sem):
        pltpu.make_async_copy(f_v, agg_sh.at[pl.ds(0, CH)], sem).wait()

    def pair_body(p, _):
        j0 = 2 * p
        j1 = 2 * p + 1
        pltpu.async_copy(y_hbm.at[src_v.at[j1]], rows1_v, sem1)
        wait(rows0_v, sem0)

        @pl.when(p > 0)
        def _():
            wait_sc(f0_v, sems0)

        scale(rows0_v, f0_v, j0)
        pltpu.async_copy(f0_v, agg_sh.at[dst_v.at[j0]], sems0, add=True)
        jn = jnp.minimum(j0 + 2, NCH - 1)
        pltpu.async_copy(y_hbm.at[src_v.at[jn]], rows0_v, sem0)
        wait(rows1_v, sem1)

        @pl.when(p > 0)
        def _():
            wait_sc(f1_v, sems1)

        scale(rows1_v, f1_v, j1)
        pltpu.async_copy(f1_v, agg_sh.at[dst_v.at[j1]], sems1, add=True)
        return 0

    lax.fori_loop(0, NCH // 2, pair_body, 0)
    wait(rows0_v, sem0)
    wait_sc(f0_v, sems0)
    wait_sc(f1_v, sems1)
    plsc.subcore_barrier()

    pltpu.sync_copy(agg_sh.at[pl.ds(s * RPS, RPS)],
                    out_hbm.at[c, pl.ds(s * RPS, RPS)])


def _final_body(agg_ref, batch_ref, w1_ref, b1_ref, w2_ref, b2_ref,
                out_ref):
    dn = (((1,), (1,)), ((), ()))
    h = jnp.maximum(agg_ref[0] + agg_ref[1], 0.0)[:PROW, :]
    gids = lax.broadcasted_iota(jnp.int32, (N_GRAPHS, PROW), 0)
    pooled = jnp.zeros((N_GRAPHS, DIM), jnp.float32)
    for m in range(4):
        seg = (batch_ref[m][None, :] == gids).astype(jnp.float32)
        pm = lax.dot_general(seg, h, (((1,), (0,)), ((), ())),
                             preferred_element_type=jnp.float32)
        pooled = pooled + pm[:, 32 * m:32 * (m + 1)]

    z = jnp.maximum(lax.dot_general(pooled, w1_ref[...], dn,
                                    preferred_element_type=jnp.float32)
                    + b1_ref[...], 0.0)
    o = lax.dot_general(z, w2_ref[...], dn,
                        preferred_element_type=jnp.float32) + b2_ref[...]
    m = jnp.max(o, axis=1, keepdims=True)
    lo = o - m
    out_ref[...] = lo - jnp.log(jnp.sum(jnp.exp(lo), axis=1, keepdims=True))


def kernel(x, edge_index, batch, edge_weight, W_rel, b_rel, W_root,
           W1, b1, W2, b2):
    pad = EPAD - N_EDGES
    ei = jnp.pad(edge_index.astype(jnp.int32), ((0, 0), (0, pad)))
    ei = ei.reshape(2 * NW, NCH, CH)
    ew = jnp.pad(edge_weight.astype(jnp.float32), (0, pad))
    ew = ew.reshape(NW, NCH, CH)
    batch4 = batch.astype(jnp.int32).reshape(PROW, 4).T

    perm = jnp.array(list(range(0, DIM, 2)) + list(range(1, DIM, 2)),
                     dtype=jnp.int32)
    W_root_p = W_root[perm, :]
    b_rel_p = b_rel[perm]
    W1_p = W1[:, perm]

    y, r_init = pl.pallas_call(
        _mm_body,
        out_shape=[jax.ShapeDtypeStruct((N_NODES, DIM), jnp.bfloat16),
                   jax.ShapeDtypeStruct((NP, DIM), jnp.float32)],
    )(x, W_rel, W_root_p, b_rel_p.reshape(1, DIM))

    mesh = plsc.VectorSubcoreMesh(core_axis_name="c", subcore_axis_name="s",
                                  num_cores=NC, num_subcores=NS)
    agg_parts = pl.kernel(
        _sc_agg_body,
        out_type=jax.ShapeDtypeStruct((NC, NP, DIM), jnp.float32),
        mesh=mesh,
        scratch_types=[
            pltpu.VMEM((NCH, CH), jnp.int32),
            pltpu.VMEM((NCH, CH), jnp.int32),
            pltpu.VMEM((NCH, CH), jnp.float32),
            pltpu.VMEM((CH, DIM), jnp.bfloat16),
            pltpu.VMEM((CH, DIM), jnp.bfloat16),
            pltpu.VMEM((CH, DIM), jnp.float32),
            pltpu.VMEM((CH, DIM), jnp.float32),
            pltpu.VMEM_SHARED((NP, DIM), jnp.float32),
            pltpu.SemaphoreType.DMA,
            pltpu.SemaphoreType.DMA,
            pltpu.SemaphoreType.DMA,
            pltpu.SemaphoreType.DMA,
        ],
        compiler_params=pltpu.CompilerParams(use_tc_tiling_on_sc=False,
                                             needs_layout_passes=False),
    )(y, ei, ew, r_init)

    aggp = agg_parts.reshape(NC, NP * DIM // 128, 128)

    out = pl.pallas_call(
        _final_body,
        out_shape=jax.ShapeDtypeStruct((N_GRAPHS, 2), jnp.float32),
    )(aggp, batch4, W1_p, b1.reshape(1, DIM), W2, b2.reshape(1, 2))
    return out

# --- scband reference (transcript-rebuilt; emitter-appended) ---
"""Pipeline reference for scband-net3-36335423324474 (READ-ONLY COPY).

The authoritative reference and input builder live on the scoring server;
editing this copy changes nothing except your own understanding.
"""

import jax, jax.numpy as jnp
import numpy as np

N_NODES = 10000
N_EDGES = 320000
D_FEAT = 128
DIM = 32
N_GRAPHS = 64


def setup_inputs(seed: int = 0) -> dict:
    key = jax.random.key(seed)
    ks = jax.random.split(key, 12)
    x = jax.random.normal(ks[0], (N_NODES, D_FEAT), dtype=jnp.float32)
    edge_index = jax.random.randint(ks[1], (2, N_EDGES), 0, N_NODES, dtype=jnp.int64)
    batch = jnp.sort(jax.random.randint(ks[2], (N_NODES,), 0, N_GRAPHS, dtype=jnp.int64))
    edge_weight = jax.random.uniform(ks[3], (N_EDGES,), dtype=jnp.float32)
    # GraphConv params: lin_rel (with bias) applied to aggregated messages,
    # lin_root (no bias) applied to root node features.
    s_in = 1.0 / np.sqrt(D_FEAT)
    s_dim = 1.0 / np.sqrt(DIM)
    W_rel = jax.random.uniform(ks[4], (DIM, D_FEAT), minval=-s_in, maxval=s_in, dtype=jnp.float32)
    b_rel = jax.random.uniform(ks[5], (DIM,), minval=-s_in, maxval=s_in, dtype=jnp.float32)
    W_root = jax.random.uniform(ks[6], (DIM, D_FEAT), minval=-s_in, maxval=s_in, dtype=jnp.float32)
    W1 = jax.random.uniform(ks[7], (DIM, DIM), minval=-s_dim, maxval=s_dim, dtype=jnp.float32)
    b1 = jax.random.uniform(ks[8], (DIM,), minval=-s_dim, maxval=s_dim, dtype=jnp.float32)
    W2 = jax.random.uniform(ks[9], (2, DIM), minval=-s_dim, maxval=s_dim, dtype=jnp.float32)
    b2 = jax.random.uniform(ks[10], (2,), minval=-s_dim, maxval=s_dim, dtype=jnp.float32)
    return {"x": x, "edge_index": edge_index, "batch": batch, "edge_weight": edge_weight,
            "W_rel": W_rel, "b_rel": b_rel, "W_root": W_root,
            "W1": W1, "b1": b1, "W2": W2, "b2": b2}


def reference(x, edge_index, batch, edge_weight, W_rel, b_rel, W_root, W1, b1, W2, b2):
    src = edge_index[0]
    dst = edge_index[1]
    # GraphConv message: x_j * edge_weight, aggregated with 'add' at dst nodes
    msg = x[src] * edge_weight[:, None]
    agg = jax.ops.segment_sum(msg, dst, num_segments=N_NODES)
    h = agg @ W_rel.T + b_rel + x @ W_root.T
    h = jax.nn.relu(h)
    # global_add_pool over batch ids
    pooled = jax.ops.segment_sum(h, batch, num_segments=N_GRAPHS)
    h = jax.nn.relu(pooled @ W1.T + b1)
    # dropout: identity in eval mode
    out = h @ W2.T + b2
    return jax.nn.log_softmax(out, axis=-1)

if __name__ == "__main__":
    import jax
    _d = setup_inputs()
    print(jax.jit(kernel)(*tuple(_d.values())))

</pallas_src>

<mosaic_0001>
#map = affine_map<(d0, d1) -> (0, 0)>
#map1 = affine_map<(d0, d1) -> (0, 0, 0)>
module attributes {stable_mosaic.version = 14 : i64} {
  func.func @_sc_agg_body(%arg0: i32, %arg1: i32, %arg2: memref<10000x32xbf16, #tpu.memory_space<hbm>>, %arg3: memref<64x80x128xi32, #tpu.memory_space<hbm>>, %arg4: memref<32x80x128xf32, #tpu.memory_space<hbm>>, %arg5: memref<10240x32xf32, #tpu.memory_space<hbm>>, %arg6: memref<2x10240x32xf32, #tpu.memory_space<hbm>>, %arg7: memref<80x128xi32, #tpu.memory_space<vmem>>, %arg8: memref<80x128xi32, #tpu.memory_space<vmem>>, %arg9: memref<80x128xf32, #tpu.memory_space<vmem>>, %arg10: memref<128x32xbf16, #tpu.memory_space<vmem>>, %arg11: memref<128x32xbf16, #tpu.memory_space<vmem>>, %arg12: memref<128x32xf32, #tpu.memory_space<vmem>>, %arg13: memref<128x32xf32, #tpu.memory_space<vmem>>, %arg14: memref<10240x32xf32, #tpu.memory_space<vmem_shared>>, %arg15: memref<!tpu.dma_semaphore, #tpu.memory_space<semaphore_mem>>, %arg16: memref<!tpu.dma_semaphore, #tpu.memory_space<semaphore_mem>>, %arg17: memref<!tpu.dma_semaphore, #tpu.memory_space<semaphore_mem>>, %arg18: memref<!tpu.dma_semaphore, #tpu.memory_space<semaphore_mem>>) attributes {dimension_semantics = [#tpu.dimension_semantics<core_parallel>, #tpu.dimension_semantics<subcore_parallel>], iteration_bounds = array<i64: 2, 16>, scalar_prefetch = 0 : i64, scratch_operands = 12 : i64, tpu.core_type = #tpu.core_type<sc_vector_subcore>, window_params = [{transform_indices = #map}, {transform_indices = #map1}, {transform_indices = #map1}, {transform_indices = #map}, {transform_indices = #map1}]} {
    %mul3A = arith.constant 16 : i32
    %mul3A_0 = arith.muli %arg0, %mul3A : i32
    %add3A = arith.addi %mul3A_0, %arg1 : i32
    %eq3A = arith.constant 0 : i32
    %eq3A_1 = arith.cmpi eq, %arg0, %eq3A : i32
    %convert_element_type3A = arith.extui %eq3A_1 : i1 to i32
    %cond3A = arith.constant 0 : i32
    %cond3A_2 = arith.cmpi ne, %convert_element_type3A, %cond3A : i32
    scf.if %cond3A_2 {
      %mul3A_44 = arith.constant 640 : i32
      %mul3A_45 = arith.muli %arg1, %mul3A_44 : i32
      %mul3A_46 = arith.constant 640 : i32
      %mul3A_47 = arith.muli %arg1, %mul3A_46 : i32
      "tpu.region"() ({
        %run_scoped3A = tpu.sem_alloc : memref<!tpu.dma_semaphore, #tpu.memory_space<semaphore_mem>>
        %dma_start3A_48 = arith.constant 0 : i32
        %dma_start3A_49 = tpu.memref_slice %arg14[%mul3A_47, %dma_start3A_48] : memref<10240x32xf32, #tpu.memory_space<vmem_shared>> -> memref<640x32xf32, #tpu.memory_space<vmem_shared>>
        %dma_start3A_50 = arith.constant 0 : i32
        %dma_start3A_51 = tpu.memref_slice %arg5[%mul3A_45, %dma_start3A_50] : memref<10240x32xf32, #tpu.memory_space<hbm>> -> memref<640x32xf32, #tpu.memory_space<hbm>>
        tpu.enqueue_dma source(%dma_start3A_51 : memref<640x32xf32, #tpu.memory_space<hbm>>) target(%dma_start3A_49 : memref<640x32xf32, #tpu.memory_space<vmem_shared>>) target_semaphore(%run_scoped3A : memref<!tpu.dma_semaphore, #tpu.memory_space<semaphore_mem>>)
        %dma_wait3A_52 = arith.constant 0 : i32
        %dma_wait3A_53 = tpu.memref_slice %arg14[%mul3A_47, %dma_wait3A_52] : memref<10240x32xf32, #tpu.memory_space<vmem_shared>> -> memref<640x32xf32, #tpu.memory_space<vmem_shared>>
        %dma_wait3A_54 = arith.constant 0 : i32
        %dma_wait3A_55 = tpu.memref_slice %arg5[%mul3A_45, %dma_wait3A_54] : memref<10240x32xf32, #tpu.memory_space<hbm>> -> memref<640x32xf32, #tpu.memory_space<hbm>>
        tpu.wait_dma2 semaphore(%run_scoped3A : memref<!tpu.dma_semaphore, #tpu.memory_space<semaphore_mem>>) src(%dma_wait3A_55 : memref<640x32xf32, #tpu.memory_space<hbm>>) dst(%dma_wait3A_53 : memref<640x32xf32, #tpu.memory_space<vmem_shared>>)
        tpu.yield
      }) : () -> ()
    } else {
    }
    %ne3A = arith.constant 0 : i32
    %ne3A_3 = arith.cmpi ne, %arg0, %ne3A : i32
    %convert_element_type3A_4 = arith.extui %ne3A_3 : i1 to i32
    %cond3A_5 = arith.constant 0 : i32
    %cond3A_6 = arith.cmpi ne, %convert_element_type3A_4, %cond3A_5 : i32
    scf.if %cond3A_6 {
      %broadcast_in_dim3A = arith.constant 0.000000e+00 : f32
      %broadcast_in_dim3A_44 = vector.broadcast %broadcast_in_dim3A : f32 to vector<16xf32>
      %scan3A_45 = arith.constant 0 : i32
      %scan3A_46 = arith.constant 0 : i32
      %scan3A_47 = arith.constant 128 : i32
      %scan3A_48 = arith.addi %scan3A_46, %scan3A_47 : i32
      %scan3A_49 = arith.constant 1 : i32
      %scan3A_50 = scf.for %scan3A_72 = %scan3A_46 to %scan3A_48 step %scan3A_49 iter_args(%scan3A_73 = %scan3A_45) -> (i32)  : i32 {
        %swap3A = arith.index_cast %scan3A_72 : i32 to index
        %swap3A_74 = arith.constant 0 : index
        %swap3A_75 = tpu.vector_load %arg12[%swap3A, %swap3A_74] {strides = array<i32>} : memref<128x32xf32, #tpu.memory_space<vmem>>, vector<16xf32>,
        tpu.vector_store %arg12[%swap3A, %swap3A_74], %broadcast_in_dim3A_44 {strides = array<i32>} : memref<128x32xf32, #tpu.memory_space<vmem>>, vector<16xf32>,
        %swap3A_76 = arith.index_cast %scan3A_72 : i32 to index
        %swap3A_77 = arith.constant 16 : index
        %swap3A_78 = tpu.vector_load %arg12[%swap3A_76, %swap3A_77] {strides = array<i32>} : memref<128x32xf32, #tpu.memory_space<vmem>>, vector<16xf32>,
        tpu.vector_store %arg12[%swap3A_76, %swap3A_77], %broadcast_in_dim3A_44 {strides = array<i32>} : memref<128x32xf32, #tpu.memory_space<vmem>>, vector<16xf32>,
        %scan3A_79 = arith.constant 0 : i32
        scf.yield %scan3A_79 : i32
      }
      %scan3A_51 = arith.constant 128 : i32
      %mul3A_52 = arith.constant 640 : i32
      %mul3A_53 = arith.muli %arg1, %mul3A_52 : i32
      %add3A_54 = arith.constant 0 : i32
      %add3A_55 = arith.addi %mul3A_53, %add3A_54 : i32
      "tpu.region"() ({
        %run_scoped3A = tpu.sem_alloc : memref<!tpu.dma_semaphore, #tpu.memory_space<semaphore_mem>>
        %dma_start3A_72 = arith.constant 0 : i32
        %dma_start3A_73 = tpu.memref_slice %arg14[%add3A_55, %dma_start3A_72] : memref<10240x32xf32, #tpu.memory_space<vmem_shared>> -> memref<128x32xf32, #tpu.memory_space<vmem_shared>>
        %dma_start3A_74 = arith.constant 0 : i32
        %dma_start3A_75 = tpu.memref_slice %arg14[%add3A_55, %dma_start3A_74] : memref<10240x32xf32, #tpu.memory_space<vmem_shared>> -> memref<128x32xf32, #tpu.memory_space<vmem_shared>>
        tpu.enqueue_dma source(%arg12 : memref<128x32xf32, #tpu.memory_space<vmem>>) target(%dma_start3A_75 : memref<128x32xf32, #tpu.memory_space<vmem_shared>>) target_semaphore(%run_scoped3A : memref<!tpu.dma_semaphore, #tpu.memory_space<semaphore_mem>>)
        %dma_wait3A_76 = arith.constant 0 : i32
        %dma_wait3A_77 = tpu.memref_slice %arg14[%add3A_55, %dma_wait3A_76] : memref<10240x32xf32, #tpu.memory_space<vmem_shared>> -> memref<128x32xf32, #tpu.memory_space<vmem_shared>>
        %dma_wait3A_78 = arith.constant 0 : i32
        %dma_wait3A_79 = tpu.memref_slice %arg14[%add3A_55, %dma_wait3A_78] : memref<10240x32xf32, #tpu.memory_space<vmem_shared>> -> memref<128x32xf32, #tpu.memory_space<vmem_shared>>
        tpu.wait_dma2 semaphore(%run_scoped3A : memref<!tpu.dma_semaphore, #tpu.memory_space<semaphore_mem>>) src(%arg12 : memref<128x32xf32, #tpu.memory_space<vmem>>) dst(%dma_wait3A_79 : memref<128x32xf32, #tpu.memory_space<vmem_shared>>)
        tpu.yield
      }) : () -> ()
      %mul3A_56 = arith.constant 640 : i32
      %mul3A_57 = arith.muli %arg1, %mul3A_56 : i32
      %add3A_58 = arith.constant 128 : i32
      %add3A_59 = arith.addi %mul3A_57, %add3A_58 : i32
      "tpu.region"() ({
        %run_scoped3A = tpu.sem_alloc : memref<!tpu.dma_semaphore, #tpu.memory_space<semaphore_mem>>
        %dma_start3A_72 = arith.constant 0 : i32
        %dma_start3A_73 = tpu.memref_slice %arg14[%add3A_59, %dma_start3A_72] : memref<10240x32xf32, #tpu.memory_space<vmem_shared>> -> memref<128x32xf32, #tpu.memory_space<vmem_shared>>
        %dma_start3A_74 = arith.constant 0 : i32
        %dma_start3A_75 = tpu.memref_slice %arg14[%add3A_59, %dma_start3A_74] : memref<10240x32xf32, #tpu.memory_space<vmem_shared>> -> memref<128x32xf32, #tpu.memory_space<vmem_shared>>
        tpu.enqueue_dma source(%arg12 : memref<128x32xf32, #tpu.memory_space<vmem>>) target(%dma_start3A_75 : memref<128x32xf32, #tpu.memory_space<vmem_shared>>) target_semaphore(%run_scoped3A : memref<!tpu.dma_semaphore, #tpu.memory_space<semaphore_mem>>)
        %dma_wait3A_76 = arith.constant 0 : i32
        %dma_wait3A_77 = tpu.memref_slice %arg14[%add3A_59, %dma_wait3A_76] : memref<10240x32xf32, #tpu.memory_space<vmem_shared>> -> memref<128x32xf32, #tpu.memory_space<vmem_shared>>
        %dma_wait3A_78 = arith.constant 0 : i32
        %dma_wait3A_79 = tpu.memref_slice %arg14[%add3A_59, %dma_wait3A_78] : memref<10240x32xf32, #tpu.memory_space<vmem_shared>> -> memref<128x32xf32, #tpu.memory_space<vmem_shared>>
        tpu.wait_dma2 semaphore(%run_scoped3A : memref<!tpu.dma_semaphore, #tpu.memory_space<semaphore_mem>>) src(%arg12 : memref<128x32xf32, #tpu.memory_space<vmem>>) dst(%dma_wait3A_79 : memref<128x32xf32, #tpu.memory_space<vmem_shared>>)
        tpu.yield
      }) : () -> ()
      %mul3A_60 = arith.constant 640 : i32
      %mul3A_61 = arith.muli %arg1, %mul3A_60 : i32
      %add3A_62 = arith.constant 256 : i32
      %add3A_63 = arith.addi %mul3A_61, %add3A_62 : i32
      "tpu.region"() ({
        %run_scoped3A = tpu.sem_alloc : memref<!tpu.dma_semaphore, #tpu.memory_space<semaphore_mem>>
        %dma_start3A_72 = arith.constant 0 : i32
        %dma_start3A_73 = tpu.memref_slice %arg14[%add3A_63, %dma_start3A_72] : memref<10240x32xf32, #tpu.memory_space<vmem_shared>> -> memref<128x32xf32, #tpu.memory_space<vmem_shared>>
        %dma_start3A_74 = arith.constant 0 : i32
        %dma_start3A_75 = tpu.memref_slice %arg14[%add3A_63, %dma_start3A_74] : memref<10240x32xf32, #tpu.memory_space<vmem_shared>> -> memref<128x32xf32, #tpu.memory_space<vmem_shared>>
        tpu.enqueue_dma source(%arg12 : memref<128x32xf32, #tpu.memory_space<vmem>>) target(%dma_start3A_75 : memref<128x32xf32, #tpu.memory_space<vmem_shared>>) target_semaphore(%run_scoped3A : memref<!tpu.dma_semaphore, #tpu.memory_space<semaphore_mem>>)
        %dma_wait3A_76 = arith.constant 0 : i32
        %dma_wait3A_77 = tpu.memref_slice %arg14[%add3A_63, %dma_wait3A_76] : memref<10240x32xf32, #tpu.memory_space<vmem_shared>> -> memref<128x32xf32, #tpu.memory_space<vmem_shared>>
        %dma_wait3A_78 = arith.constant 0 : i32
        %dma_wait3A_79 = tpu.memref_slice %arg14[%add3A_63, %dma_wait3A_78] : memref<10240x32xf32, #tpu.memory_space<vmem_shared>> -> memref<128x32xf32, #tpu.memory_space<vmem_shared>>
        tpu.wait_dma2 semaphore(%run_scoped3A : memref<!tpu.dma_semaphore, #tpu.memory_space<semaphore_mem>>) src(%arg12 : memref<128x32xf32, #tpu.memory_space<vmem>>) dst(%dma_wait3A_79 : memref<128x32xf32, #tpu.memory_space<vmem_shared>>)
        tpu.yield
      }) : () -> ()
      %mul3A_64 = arith.constant 640 : i32
      %mul3A_65 = arith.muli %arg1, %mul3A_64 : i32
      %add3A_66 = arith.constant 384 : i32
      %add3A_67 = arith.addi %mul3A_65, %add3A_66 : i32
      "tpu.region"() ({
        %run_scoped3A = tpu.sem_alloc : memref<!tpu.dma_semaphore, #tpu.memory_space<semaphore_mem>>
        %dma_start3A_72 = arith.constant 0 : i32
        %dma_start3A_73 = tpu.memref_slice %arg14[%add3A_67, %dma_start3A_72] : memref<10240x32xf32, #tpu.memory_space<vmem_shared>> -> memref<128x32xf32, #tpu.memory_space<vmem_shared>>
        %dma_start3A_74 = arith.constant 0 : i32
        %dma_start3A_75 = tpu.memref_slice %arg14[%add3A_67, %dma_start3A_74] : memref<10240x32xf32, #tpu.memory_space<vmem_shared>> -> memref<128x32xf32, #tpu.memory_space<vmem_shared>>
        tpu.enqueue_dma source(%arg12 : memref<128x32xf32, #tpu.memory_space<vmem>>) target(%dma_start3A_75 : memref<128x32xf32, #tpu.memory_space<vmem_shared>>) target_semaphore(%run_scoped3A : memref<!tpu.dma_semaphore, #tpu.memory_space<semaphore_mem>>)
        %dma_wait3A_76 = arith.constant 0 : i32
        %dma_wait3A_77 = tpu.memref_slice %arg14[%add3A_67, %dma_wait3A_76] : memref<10240x32xf32, #tpu.memory_space<vmem_shared>> -> memref<128x32xf32, #tpu.memory_space<vmem_shared>>
        %dma_wait3A_78 = arith.constant 0 : i32
        %dma_wait3A_79 = tpu.memref_slice %arg14[%add3A_67, %dma_wait3A_78] : memref<10240x32xf32, #tpu.memory_space<vmem_shared>> -> memref<128x32xf32, #tpu.memory_space<vmem_shared>>
        tpu.wait_dma2 semaphore(%run_scoped3A : memref<!tpu.dma_semaphore, #tpu.memory_space<semaphore_mem>>) src(%arg12 : memref<128x32xf32, #tpu.memory_space<vmem>>) dst(%dma_wait3A_79 : memref<128x32xf32, #tpu.memory_space<vmem_shared>>)
        tpu.yield
      }) : () -> ()
      %mul3A_68 = arith.constant 640 : i32
      %mul3A_69 = arith.muli %arg1, %mul3A_68 : i32
      %add3A_70 = arith.constant 512 : i32
      %add3A_71 = arith.addi %mul3A_69, %add3A_70 : i32
      "tpu.region"() ({
        %run_scoped3A = tpu.sem_alloc : memref<!tpu.dma_semaphore, #tpu.memory_space<semaphore_mem>>
        %dma_start3A_72 = arith.constant 0 : i32
        %dma_start3A_73 = tpu.memref_slice %arg14[%add3A_71, %dma_start3A_72] : memref<10240x32xf32, #tpu.memory_space<vmem_shared>> -> memref<128x32xf32, #tpu.memory_space<vmem_shared>>
        %dma_start3A_74 = arith.constant 0 : i32
        %dma_start3A_75 = tpu.memref_slice %arg14[%add3A_71, %dma_start3A_74] : memref<10240x32xf32, #tpu.memory_space<vmem_shared>> -> memref<128x32xf32, #tpu.memory_space<vmem_shared>>
        tpu.enqueue_dma source(%arg12 : memref<128x32xf32, #tpu.memory_space<vmem>>) target(%dma_start3A_75 : memref<128x32xf32, #tpu.memory_space<vmem_shared>>) target_semaphore(%run_scoped3A : memref<!tpu.dma_semaphore, #tpu.memory_space<semaphore_mem>>)
        %dma_wait3A_76 = arith.constant 0 : i32
        %dma_wait3A_77 = tpu.memref_slice %arg14[%add3A_71, %dma_wait3A_76] : memref<10240x32xf32, #tpu.memory_space<vmem_shared>> -> memref<128x32xf32, #tpu.memory_space<vmem_shared>>
        %dma_wait3A_78 = arith.constant 0 : i32
        %dma_wait3A_79 = tpu.memref_slice %arg14[%add3A_71, %dma_wait3A_78] : memref<10240x32xf32, #tpu.memory_space<vmem_shared>> -> memref<128x32xf32, #tpu.memory_space<vmem_shared>>
        tpu.wait_dma2 semaphore(%run_scoped3A : memref<!tpu.dma_semaphore, #tpu.memory_space<semaphore_mem>>) src(%arg12 : memref<128x32xf32, #tpu.memory_space<vmem>>) dst(%dma_wait3A_79 : memref<128x32xf32, #tpu.memory_space<vmem_shared>>)
        tpu.yield
      }) : () -> ()
    } else {
    }
    %barrier3A = arith.constant 0 : index
    tpu.barrier barrier_id(%barrier3A)
    "tpu.region"() ({
      %run_scoped3A = tpu.sem_alloc : memref<!tpu.dma_semaphore, #tpu.memory_space<semaphore_mem>>
      %dma_start3A_44 = arith.constant 0 : i32
      %dma_start3A_45 = arith.constant 0 : i32
      %dma_start3A_46 = tpu.memref_slice %arg3[%add3A, %dma_start3A_44, %dma_start3A_45] : memref<64x80x128xi32, #tpu.memory_space<hbm>> -> memref<1x80x128xi32, #tpu.memory_space<hbm>>
      %dma_start3A_47 = tpu.memref_squeeze %dma_start3A_46 : memref<1x80x128xi32, #tpu.memory_space<hbm>> -> memref<80x128xi32, #tpu.memory_space<hbm>>
      %dma_start3A_48 = arith.constant 0 : i32
      %dma_start3A_49 = arith.constant 0 : i32
      %dma_start3A_50 = tpu.memref_slice %arg3[%add3A, %dma_start3A_48, %dma_start3A_49] : memref<64x80x128xi32, #tpu.memory_space<hbm>> -> memref<1x80x128xi32, #tpu.memory_space<hbm>>
      %dma_start3A_51 = tpu.memref_squeeze %dma_start3A_50 : memref<1x80x128xi32, #tpu.memory_space<hbm>> -> memref<80x128xi32, #tpu.memory_space<hbm>>
      tpu.enqueue_dma source(%dma_start3A_51 : memref<80x128xi32, #tpu.memory_space<hbm>>) target(%arg7 : memref<80x128xi32, #tpu.memory_space<vmem>>) target_semaphore(%run_scoped3A : memref<!tpu.dma_semaphore, #tpu.memory_space<semaphore_mem>>)
      %dma_wait3A_52 = arith.constant 0 : i32
      %dma_wait3A_53 = arith.constant 0 : i32
      %dma_wait3A_54 = tpu.memref_slice %arg3[%add3A, %dma_wait3A_52, %dma_wait3A_53] : memref<64x80x128xi32, #tpu.memory_space<hbm>> -> memref<1x80x128xi32, #tpu.memory_space<hbm>>
      %dma_wait3A_55 = tpu.memref_squeeze %dma_wait3A_54 : memref<1x80x128xi32, #tpu.memory_space<hbm>> -> memref<80x128xi32, #tpu.memory_space<hbm>>
      %dma_wait3A_56 = arith.constant 0 : i32
      %dma_wait3A_57 = arith.constant 0 : i32
      %dma_wait3A_58 = tpu.memref_slice %arg3[%add3A, %dma_wait3A_56, %dma_wait3A_57] : memref<64x80x128xi32, #tpu.memory_space<hbm>> -> memref<1x80x128xi32, #tpu.memory_space<hbm>>
      %dma_wait3A_59 = tpu.memref_squeeze %dma_wait3A_58 : memref<1x80x128xi32, #tpu.memory_space<hbm>> -> memref<80x128xi32, #tpu.memory_space<hbm>>
      tpu.wait_dma2 semaphore(%run_scoped3A : memref<!tpu.dma_semaphore, #tpu.memory_space<semaphore_mem>>) src(%dma_wait3A_59 : memref<80x128xi32, #tpu.memory_space<hbm>>) dst(%arg7 : memref<80x128xi32, #tpu.memory_space<vmem>>)
      tpu.yield
    }) : () -> ()
    %add3A_7 = arith.constant 32 : i32
    %add3A_8 = arith.addi %add3A_7, %add3A : i32
    "tpu.region"() ({
      %run_scoped3A = tpu.sem_alloc : memref<!tpu.dma_semaphore, #tpu.memory_space<semaphore_mem>>
      %dma_start3A_44 = arith.constant 0 : i32
      %dma_start3A_45 = arith.constant 0 : i32
      %dma_start3A_46 = tpu.memref_slice %arg3[%add3A_8, %dma_start3A_44, %dma_start3A_45] : memref<64x80x128xi32, #tpu.memory_space<hbm>> -> memref<1x80x128xi32, #tpu.memory_space<hbm>>
      %dma_start3A_47 = tpu.memref_squeeze %dma_start3A_46 : memref<1x80x128xi32, #tpu.memory_space<hbm>> -> memref<80x128xi32, #tpu.memory_space<hbm>>
      %dma_start3A_48 = arith.constant 0 : i32
      %dma_start3A_49 = arith.constant 0 : i32
      %dma_start3A_50 = tpu.memref_slice %arg3[%add3A_8, %dma_start3A_48, %dma_start3A_49] : memref<64x80x128xi32, #tpu.memory_space<hbm>> -> memref<1x80x128xi32, #tpu.memory_space<hbm>>
      %dma_start3A_51 = tpu.memref_squeeze %dma_start3A_50 : memref<1x80x128xi32, #tpu.memory_space<hbm>> -> memref<80x128xi32, #tpu.memory_space<hbm>>
      tpu.enqueue_dma source(%dma_start3A_51 : memref<80x128xi32, #tpu.memory_space<hbm>>) target(%arg8 : memref<80x128xi32, #tpu.memory_space<vmem>>) target_semaphore(%run_scoped3A : memref<!tpu.dma_semaphore, #tpu.memory_space<semaphore_mem>>)
      %dma_wait3A_52 = arith.constant 0 : i32
      %dma_wait3A_53 = arith.constant 0 : i32
      %dma_wait3A_54 = tpu.memref_slice %arg3[%add3A_8, %dma_wait3A_52, %dma_wait3A_53] : memref<64x80x128xi32, #tpu.memory_space<hbm>> -> memref<1x80x128xi32, #tpu.memory_space<hbm>>
      %dma_wait3A_55 = tpu.memref_squeeze %dma_wait3A_54 : memref<1x80x128xi32, #tpu.memory_space<hbm>> -> memref<80x128xi32, #tpu.memory_space<hbm>>
      %dma_wait3A_56 = arith.constant 0 : i32
      %dma_wait3A_57 = arith.constant 0 : i32
      %dma_wait3A_58 = tpu.memref_slice %arg3[%add3A_8, %dma_wait3A_56, %dma_wait3A_57] : memref<64x80x128xi32, #tpu.memory_space<hbm>> -> memref<1x80x128xi32, #tpu.memory_space<hbm>>
      %dma_wait3A_59 = tpu.memref_squeeze %dma_wait3A_58 : memref<1x80x128xi32, #tpu.memory_space<hbm>> -> memref<80x128xi32, #tpu.memory_space<hbm>>
      tpu.wait_dma2 semaphore(%run_scoped3A : memref<!tpu.dma_semaphore, #tpu.memory_space<semaphore_mem>>) src(%dma_wait3A_59 : memref<80x128xi32, #tpu.memory_space<hbm>>) dst(%arg8 : memref<80x128xi32, #tpu.memory_space<vmem>>)
      tpu.yield
    }) : () -> ()
    "tpu.region"() ({
      %run_scoped3A = tpu.sem_alloc : memref<!tpu.dma_semaphore, #tpu.memory_space<semaphore_mem>>
      %dma_start3A_44 = arith.constant 0 : i32
      %dma_start3A_45 = arith.constant 0 : i32
      %dma_start3A_46 = tpu.memref_slice %arg4[%add3A, %dma_start3A_44, %dma_start3A_45] : memref<32x80x128xf32, #tpu.memory_space<hbm>> -> memref<1x80x128xf32, #tpu.memory_space<hbm>>
      %dma_start3A_47 = tpu.memref_squeeze %dma_start3A_46 : memref<1x80x128xf32, #tpu.memory_space<hbm>> -> memref<80x128xf32, #tpu.memory_space<hbm>>
      %dma_start3A_48 = arith.constant 0 : i32
      %dma_start3A_49 = arith.constant 0 : i32
      %dma_start3A_50 = tpu.memref_slice %arg4[%add3A, %dma_start3A_48, %dma_start3A_49] : memref<32x80x128xf32, #tpu.memory_space<hbm>> -> memref<1x80x128xf32, #tpu.memory_space<hbm>>
      %dma_start3A_51 = tpu.memref_squeeze %dma_start3A_50 : memref<1x80x128xf32, #tpu.memory_space<hbm>> -> memref<80x128xf32, #tpu.memory_space<hbm>>
      tpu.enqueue_dma source(%dma_start3A_51 : memref<80x128xf32, #tpu.memory_space<hbm>>) target(%arg9 : memref<80x128xf32, #tpu.memory_space<vmem>>) target_semaphore(%run_scoped3A : memref<!tpu.dma_semaphore, #tpu.memory_space<semaphore_mem>>)
      %dma_wait3A_52 = arith.constant 0 : i32
      %dma_wait3A_53 = arith.constant 0 : i32
      %dma_wait3A_54 = tpu.memref_slice %arg4[%add3A, %dma_wait3A_52, %dma_wait3A_53] : memref<32x80x128xf32, #tpu.memory_space<hbm>> -> memref<1x80x128xf32, #tpu.memory_space<hbm>>
      %dma_wait3A_55 = tpu.memref_squeeze %dma_wait3A_54 : memref<1x80x128xf32, #tpu.memory_space<hbm>> -> memref<80x128xf32, #tpu.memory_space<hbm>>
      %dma_wait3A_56 = arith.constant 0 : i32
      %dma_wait3A_57 = arith.constant 0 : i32
      %dma_wait3A_58 = tpu.memref_slice %arg4[%add3A, %dma_wait3A_56, %dma_wait3A_57] : memref<32x80x128xf32, #tpu.memory_space<hbm>> -> memref<1x80x128xf32, #tpu.memory_space<hbm>>
      %dma_wait3A_59 = tpu.memref_squeeze %dma_wait3A_58 : memref<1x80x128xf32, #tpu.memory_space<hbm>> -> memref<80x128xf32, #tpu.memory_space<hbm>>
      tpu.wait_dma2 semaphore(%run_scoped3A : memref<!tpu.dma_semaphore, #tpu.memory_space<semaphore_mem>>) src(%dma_wait3A_59 : memref<80x128xf32, #tpu.memory_space<hbm>>) dst(%arg9 : memref<80x128xf32, #tpu.memory_space<vmem>>)
      tpu.yield
    }) : () -> ()
    %dma_start3A = arith.constant 0 : i32
    %dma_start3A_9 = arith.constant 0 : i32
    %dma_start3A_10 = tpu.memref_slice %arg7[%dma_start3A, %dma_start3A_9] : memref<80x128xi32, #tpu.memory_space<vmem>> -> memref<1x128xi32, #tpu.memory_space<vmem>>
    %dma_start3A_11 = tpu.memref_squeeze %dma_start3A_10 : memref<1x128xi32, #tpu.memory_space<vmem>> -> memref<128xi32, #tpu.memory_space<vmem>>
    %dma_start3A_12 = arith.constant 0 : i32
    %dma_start3A_13 = arith.constant 0 : i32
    %dma_start3A_14 = tpu.memref_slice %arg2[%dma_start3A_12, %dma_start3A_13] : memref<10000x32xbf16, #tpu.memory_space<hbm>> -> memref<10000x32xbf16, #tpu.memory_space<hbm>>
    tpu.enqueue_indirect_dma source(%dma_start3A_14 : memref<10000x32xbf16, #tpu.memory_space<hbm>>) target(%arg10 : memref<128x32xbf16, #tpu.memory_space<vmem>>) offsets(%dma_start3A_11 : memref<128xi32, #tpu.memory_space<vmem>>) semaphore(%arg15 : memref<!tpu.dma_semaphore, #tpu.memory_space<semaphore_mem>>)
    %scan3A = arith.constant -65536 : i32
    %scan3A_15 = arith.constant 0 : i32
    %scan3A_16 = arith.constant 0 : i32
    %scan3A_17 = arith.constant 40 : i32
    %scan3A_18 = arith.addi %scan3A_16, %scan3A_17 : i32
    %scan3A_19 = arith.constant 1 : i32
    %scan3A_20 = scf.for %scan3A_44 = %scan3A_16 to %scan3A_18 step %scan3A_19 iter_args(%scan3A_45 = %scan3A_15) -> (i32)  : i32 {
      %mul3A_46 = arith.constant 2 : i32
      %mul3A_47 = arith.muli %mul3A_46, %scan3A_44 : i32
      %mul3A_48 = arith.constant 2 : i32
      %mul3A_49 = arith.muli %mul3A_48, %scan3A_44 : i32
      %add3A_50 = arith.constant 1 : i32
      %add3A_51 = arith.addi %mul3A_49, %add3A_50 : i32
      %dma_start3A_52 = arith.constant 0 : i32
      %dma_start3A_53 = tpu.memref_slice %arg7[%add3A_51, %dma_start3A_52] : memref<80x128xi32, #tpu.memory_space<vmem>> -> memref<1x128xi32, #tpu.memory_space<vmem>>
      %dma_start3A_54 = tpu.memref_squeeze %dma_start3A_53 : memref<1x128xi32, #tpu.memory_space<vmem>> -> memref<128xi32, #tpu.memory_space<vmem>>
      %dma_start3A_55 = arith.constant 0 : i32
      %dma_start3A_56 = arith.constant 0 : i32
      %dma_start3A_57 = tpu.memref_slice %arg2[%dma_start3A_55, %dma_start3A_56] : memref<10000x32xbf16, #tpu.memory_space<hbm>> -> memref<10000x32xbf16, #tpu.memory_space<hbm>>
      tpu.enqueue_indirect_dma source(%dma_start3A_57 : memref<10000x32xbf16, #tpu.memory_space<hbm>>) target(%arg11 : memref<128x32xbf16, #tpu.memory_space<vmem>>) offsets(%dma_start3A_54 : memref<128xi32, #tpu.memory_space<vmem>>) semaphore(%arg16 : memref<!tpu.dma_semaphore, #tpu.memory_space<semaphore_mem>>)
      %dma_wait3A_58 = arith.constant 0 : i32
      %dma_wait3A_59 = arith.constant 0 : i32
      %dma_wait3A_60 = tpu.memref_slice %arg2[%dma_wait3A_58, %dma_wait3A_59] : memref<10000x32xbf16, #tpu.memory_space<hbm>> -> memref<128x32xbf16, #tpu.memory_space<hbm>>
      %dma_wait3A_61 = arith.constant 0 : i32
      %dma_wait3A_62 = arith.constant 0 : i32
      %dma_wait3A_63 = tpu.memref_slice %arg2[%dma_wait3A_61, %dma_wait3A_62] : memref<10000x32xbf16, #tpu.memory_space<hbm>> -> memref<128x32xbf16, #tpu.memory_space<hbm>>
      tpu.wait_dma2 semaphore(%arg15 : memref<!tpu.dma_semaphore, #tpu.memory_space<semaphore_mem>>) src(%dma_wait3A_63 : memref<128x32xbf16, #tpu.memory_space<hbm>>) dst(%arg10 : memref<128x32xbf16, #tpu.memory_space<vmem>>)
      %gt3A = arith.constant 0 : i32
      %gt3A_64 = arith.cmpi sgt, %scan3A_44, %gt3A : i32
      %convert_element_type3A_65 = arith.extui %gt3A_64 : i1 to i32
      %cond3A_66 = arith.constant 0 : i32
      %cond3A_67 = arith.cmpi ne, %convert_element_type3A_65, %cond3A_66 : i32
      scf.if %cond3A_67 {
        %dma_wait3A_115 = arith.constant 0 : i32
        %dma_wait3A_116 = arith.constant 0 : i32
        %dma_wait3A_117 = tpu.memref_slice %arg14[%dma_wait3A_115, %dma_wait3A_116] : memref<10240x32xf32, #tpu.memory_space<vmem_shared>> -> memref<128x32xf32, #tpu.memory_space<vmem_shared>>
        %dma_wait3A_118 = arith.constant 0 : i32
        %dma_wait3A_119 = arith.constant 0 : i32
        %dma_wait3A_120 = tpu.memref_slice %arg14[%dma_wait3A_118, %dma_wait3A_119] : memref<10240x32xf32, #tpu.memory_space<vmem_shared>> -> memref<128x32xf32, #tpu.memory_space<vmem_shared>>
        tpu.wait_dma2 semaphore(%arg17 : memref<!tpu.dma_semaphore, #tpu.memory_space<semaphore_mem>>) src(%arg12 : memref<128x32xf32, #tpu.memory_space<vmem>>) dst(%dma_wait3A_120 : memref<128x32xf32, #tpu.memory_space<vmem_shared>>)
      } else {
      }
      %scan3A_68 = arith.constant 0 : i32
      %scan3A_69 = arith.constant 0 : i32
      %scan3A_70 = arith.constant 8 : i32
      %scan3A_71 = arith.addi %scan3A_69, %scan3A_70 : i32
      %scan3A_72 = arith.constant 1 : i32
      %scan3A_73 = scf.for %scan3A_115 = %scan3A_69 to %scan3A_71 step %scan3A_72 iter_args(%scan3A_116 = %scan3A_68) -> (i32)  : i32 {
        %mul3A_117 = arith.constant 16 : i32
        %mul3A_118 = arith.muli %scan3A_115, %mul3A_117 : i32
        %get3A = arith.index_cast %mul3A_47 : i32 to index
        %get3A_119 = arith.index_cast %mul3A_118 : i32 to index
        %get3A_120 = tpu.vector_load %arg9[%get3A, %get3A_119] {strides = array<i32>} : memref<80x128xf32, #tpu.memory_space<vmem>>, vector<16xf32>,
        %slice3A = vector.extract_strided_slice %get3A_120 {offsets = [0], sizes = [1], strides = [1]} : vector<16xf32> to vector<1xf32>
        %squeeze3A = vector.extract %slice3A[0] : f32 from vector<1xf32>
        %add3A_121 = arith.constant 0 : i32
        %add3A_122 = arith.addi %mul3A_118, %add3A_121 : i32
        %get3A_123 = arith.index_cast %add3A_122 : i32 to index
        %get3A_124 = arith.constant 0 : index
        %get3A_125 = tpu.vector_load %arg10[%get3A_123, %get3A_124] {strides = array<i32>} : memref<128x32xbf16, #tpu.memory_space<vmem>>, vector<32xbf16>,
        %bitcast3A = vector.bitcast %get3A_125 : vector<32xbf16> to vector<16xi32>
        %shift_left3A = arith.constant 16 : i32
        %shift_left3A_126 = vector.broadcast %shift_left3A : i32 to vector<16xi32>
        %shift_left3A_127 = arith.shli %bitcast3A, %shift_left3A_126 : vector<16xi32>
        %bitcast3A_128 = vector.bitcast %shift_left3A_127 : vector<16xi32> to vector<16xf32>
        %and3A = vector.broadcast %scan3A : i32 to vector<16xi32>
        %and3A_129 = arith.andi %bitcast3A, %and3A : vector<16xi32>
        %bitcast3A_130 = vector.bitcast %and3A_129 : vector<16xi32> to vector<16xf32>
        %mul3A_131 = vector.broadcast %squeeze3A : f32 to vector<16xf32>
        %mul3A_132 = arith.mulf %bitcast3A_128, %mul3A_131 : vector<16xf32>
        %add3A_133 = arith.constant 0 : i32
        %add3A_134 = arith.addi %mul3A_118, %add3A_133 : i32
        %swap3A = arith.index_cast %add3A_134 : i32 to index
        %swap3A_135 = arith.constant 0 : index
        %swap3A_136 = tpu.vector_load %arg12[%swap3A, %swap3A_135] {strides = array<i32>} : memref<128x32xf32, #tpu.memory_space<vmem>>, vector<16xf32>,
        tpu.vector_store %arg12[%swap3A, %swap3A_135], %mul3A_132 {strides = array<i32>} : memref<128x32xf32, #tpu.memory_space<vmem>>, vector<16xf32>,
        %mul3A_137 = vector.broadcast %squeeze3A : f32 to vector<16xf32>
        %mul3A_138 = arith.mulf %bitcast3A_130, %mul3A_137 : vector<16xf32>
        %add3A_139 = arith.constant 0 : i32
        %add3A_140 = arith.addi %mul3A_118, %add3A_139 : i32
        %swap3A_141 = arith.index_cast %add3A_140 : i32 to index
        %swap3A_142 = arith.constant 16 : index
        %swap3A_143 = tpu.vector_load %arg12[%swap3A_141, %swap3A_142] {strides = array<i32>} : memref<128x32xf32, #tpu.memory_space<vmem>>, vector<16xf32>,
        tpu.vector_store %arg12[%swap3A_141, %swap3A_142], %mul3A_138 {strides = array<i32>} : memref<128x32xf32, #tpu.memory_space<vmem>>, vector<16xf32>,
        %slice3A_144 = vector.extract_strided_slice %get3A_120 {offsets = [1], sizes = [1], strides = [1]} : vector<16xf32> to vector<1xf32>
        %squeeze3A_145 = vector.extract %slice3A_144[0] : f32 from vector<1xf32>
        %add3A_146 = arith.constant 1 : i32
        %add3A_147 = arith.addi %mul3A_118, %add3A_146 : i32
        %get3A_148 = arith.index_cast %add3A_147 : i32 to index
        %get3A_149 = arith.constant 0 : index
        %get3A_150 = tpu.vector_load %arg10[%get3A_148, %get3A_149] {strides = array<i32>} : memref<128x32xbf16, #tpu.memory_space<vmem>>, vector<32xbf16>,
        %bitcast3A_151 = vector.bitcast %get3A_150 : vector<32xbf16> to vector<16xi32>
        %shift_left3A_152 = arith.constant 16 : i32
        %shift_left3A_153 = vector.broadcast %shift_left3A_152 : i32 to vector<16xi32>
        %shift_left3A_154 = arith.shli %bitcast3A_151, %shift_left3A_153 : vector<16xi32>
        %bitcast3A_155 = vector.bitcast %shift_left3A_154 : vector<16xi32> to vector<16xf32>
        %and3A_156 = vector.broadcast %scan3A : i32 to vector<16xi32>
        %and3A_157 = arith.andi %bitcast3A_151, %and3A_156 : vector<16xi32>
        %bitcast3A_158 = vector.bitcast %and3A_157 : vector<16xi32> to vector<16xf32>
        %mul3A_159 = vector.broadcast %squeeze3A_145 : f32 to vector<16xf32>
        %mul3A_160 = arith.mulf %bitcast3A_155, %mul3A_159 : vector<16xf32>
        %add3A_161 = arith.constant 1 : i32
        %add3A_162 = arith.addi %mul3A_118, %add3A_161 : i32
        %swap3A_163 = arith.index_cast %add3A_162 : i32 to index
        %swap3A_164 = arith.constant 0 : index
        %swap3A_165 = tpu.vector_load %arg12[%swap3A_163, %swap3A_164] {strides = array<i32>} : memref<128x32xf32, #tpu.memory_space<vmem>>, vector<16xf32>,
        tpu.vector_store %arg12[%swap3A_163, %swap3A_164], %mul3A_160 {strides = array<i32>} : memref<128x32xf32, #tpu.memory_space<vmem>>, vector<16xf32>,
        %mul3A_166 = vector.broadcast %squeeze3A_145 : f32 to vector<16xf32>
        %mul3A_167 = arith.mulf %bitcast3A_158, %mul3A_166 : vector<16xf32>
        %add3A_168 = arith.constant 1 : i32
        %add3A_169 = arith.addi %mul3A_118, %add3A_168 : i32
        %swap3A_170 = arith.index_cast %add3A_169 : i32 to index
        %swap3A_171 = arith.constant 16 : index
        %swap3A_172 = tpu.vector_load %arg12[%swap3A_170, %swap3A_171] {strides = array<i32>} : memref<128x32xf32, #tpu.memory_space<vmem>>, vector<16xf32>,
        tpu.vector_store %arg12[%swap3A_170, %swap3A_171], %mul3A_167 {strides = array<i32>} : memref<128x32xf32, #tpu.memory_space<vmem>>, vector<16xf32>,
        %slice3A_173 = vector.extract_strided_slice %get3A_120 {offsets = [2], sizes = [1], strides = [1]} : vector<16xf32> to vector<1xf32>
        %squeeze3A_174 = vector.extract %slice3A_173[0] : f32 from vector<1xf32>
        %add3A_175 = arith.constant 2 : i32
        %add3A_176 = arith.addi %mul3A_118, %add3A_175 : i32
        %get3A_177 = arith.index_cast %add3A_176 : i32 to index
        %get3A_178 = arith.constant 0 : index
        %get3A_179 = tpu.vector_load %arg10[%get3A_177, %get3A_178] {strides = array<i32>} : memref<128x32xbf16, #tpu.memory_space<vmem>>, vector<32xbf16>,
        %bitcast3A_180 = vector.bitcast %get3A_179 : vector<32xbf16> to vector<16xi32>
        %shift_left3A_181 = arith.constant 16 : i32
        %shift_left3A_182 = vector.broadcast %shift_left3A_181 : i32 to vector<16xi32>
        %shift_left3A_183 = arith.shli %bitcast3A_180, %shift_left3A_182 : vector<16xi32>
        %bitcast3A_184 = vector.bitcast %shift_left3A_183 : vector<16xi32> to vector<16xf32>
        %and3A_185 = vector.broadcast %scan3A : i32 to vector<16xi32>
        %and3A_186 = arith.andi %bitcast3A_180, %and3A_185 : vector<16xi32>
        %bitcast3A_187 = vector.bitcast %and3A_186 : vector<16xi32> to vector<16xf32>
        %mul3A_188 = vector.broadcast %squeeze3A_174 : f32 to vector<16xf32>
        %mul3A_189 = arith.mulf %bitcast3A_184, %mul3A_188 : vector<16xf32>
        %add3A_190 = arith.constant 2 : i32
        %add3A_191 = arith.addi %mul3A_118, %add3A_190 : i32
        %swap3A_192 = arith.index_cast %add3A_191 : i32 to index
        %swap3A_193 = arith.constant 0 : index
        %swap3A_194 = tpu.vector_load %arg12[%swap3A_192, %swap3A_193] {strides = array<i32>} : memref<128x32xf32, #tpu.memory_space<vmem>>, vector<16xf32>,
        tpu.vector_store %arg12[%swap3A_192, %swap3A_193], %mul3A_189 {strides = array<i32>} : memref<128x32xf32, #tpu.memory_space<vmem>>, vector<16xf32>,
        %mul3A_195 = vector.broadcast %squeeze3A_174 : f32 to vector<16xf32>
        %mul3A_196 = arith.mulf %bitcast3A_187, %mul3A_195 : vector<16xf32>
        %add3A_197 = arith.constant 2 : i32
        %add3A_198 = arith.addi %mul3A_118, %add3A_197 : i32
        %swap3A_199 = arith.index_cast %add3A_198 : i32 to index
        %swap3A_200 = arith.constant 16 : index
        %swap3A_201 = tpu.vector_load %arg12[%swap3A_199, %swap3A_200] {strides = array<i32>} : memref<128x32xf32, #tpu.memory_space<vmem>>, vector<16xf32>,
        tpu.vector_store %arg12[%swap3A_199, %swap3A_200], %mul3A_196 {strides = array<i32>} : memref<128x32xf32, #tpu.memory_space<vmem>>, vector<16xf32>,
        %slice3A_202 = vector.extract_strided_slice %get3A_120 {offsets = [3], sizes = [1], strides = [1]} : vector<16xf32> to vector<1xf32>
        %squeeze3A_203 = vector.extract %slice3A_202[0] : f32 from vector<1xf32>
        %add3A_204 = arith.constant 3 : i32
        %add3A_205 = arith.addi %mul3A_118, %add3A_204 : i32
        %get3A_206 = arith.index_cast %add3A_205 : i32 to index
        %get3A_207 = arith.constant 0 : index
        %get3A_208 = tpu.vector_load %arg10[%get3A_206, %get3A_207] {strides = array<i32>} : memref<128x32xbf16, #tpu.memory_space<vmem>>, vector<32xbf16>,
        %bitcast3A_209 = vector.bitcast %get3A_208 : vector<32xbf16> to vector<16xi32>
        %shift_left3A_210 = arith.constant 16 : i32
        %shift_left3A_211 = vector.broadcast %shift_left3A_210 : i32 to vector<16xi32>
        %shift_left3A_212 = arith.shli %bitcast3A_209, %shift_left3A_211 : vector<16xi32>
        %bitcast3A_213 = vector.bitcast %shift_left3A_212 : vector<16xi32> to vector<16xf32>
        %and3A_214 = vector.broadcast %scan3A : i32 to vector<16xi32>
        %and3A_215 = arith.andi %bitcast3A_209, %and3A_214 : vector<16xi32>
        %bitcast3A_216 = vector.bitcast %and3A_215 : vector<16xi32> to vector<16xf32>
        %mul3A_217 = vector.broadcast %squeeze3A_203 : f32 to vector<16xf32>
        %mul3A_218 = arith.mulf %bitcast3A_213, %mul3A_217 : vector<16xf32>
        %add3A_219 = arith.constant 3 : i32
        %add3A_220 = arith.addi %mul3A_118, %add3A_219 : i32
        %swap3A_221 = arith.index_cast %add3A_220 : i32 to index
        %swap3A_222 = arith.constant 0 : index
        %swap3A_223 = tpu.vector_load %arg12[%swap3A_221, %swap3A_222] {strides = array<i32>} : memref<128x32xf32, #tpu.memory_space<vmem>>, vector<16xf32>,
        tpu.vector_store %arg12[%swap3A_221, %swap3A_222], %mul3A_218 {strides = array<i32>} : memref<128x32xf32, #tpu.memory_space<vmem>>, vector<16xf32>,
        %mul3A_224 = vector.broadcast %squeeze3A_203 : f32 to vector<16xf32>
        %mul3A_225 = arith.mulf %bitcast3A_216, %mul3A_224 : vector<16xf32>
        %add3A_226 = arith.constant 3 : i32
        %add3A_227 = arith.addi %mul3A_118, %add3A_226 : i32
        %swap3A_228 = arith.index_cast %add3A_227 : i32 to index
        %swap3A_229 = arith.constant 16 : index
        %swap3A_230 = tpu.vector_load %arg12[%swap3A_228, %swap3A_229] {strides = array<i32>} : memref<128x32xf32, #tpu.memory_space<vmem>>, vector<16xf32>,
        tpu.vector_store %arg12[%swap3A_228, %swap3A_229], %mul3A_225 {strides = array<i32>} : memref<128x32xf32, #tpu.memory_space<vmem>>, vector<16xf32>,
        %slice3A_231 = vector.extract_strided_slice %get3A_120 {offsets = [4], sizes = [1], strides = [1]} : vector<16xf32> to vector<1xf32>
        %squeeze3A_232 = vector.extract %slice3A_231[0] : f32 from vector<1xf32>
        %add3A_233 = arith.constant 4 : i32
        %add3A_234 = arith.addi %mul3A_118, %add3A_233 : i32
        %get3A_235 = arith.index_cast %add3A_234 : i32 to index
        %get3A_236 = arith.constant 0 : index
        %get3A_237 = tpu.vector_load %arg10[%get3A_235, %get3A_236] {strides = array<i32>} : memref<128x32xbf16, #tpu.memory_space<vmem>>, vector<32xbf16>,
        %bitcast3A_238 = vector.bitcast %get3A_237 : vector<32xbf16> to vector<16xi32>
        %shift_left3A_239 = arith.constant 16 : i32
        %shift_left3A_240 = vector.broadcast %shift_left3A_239 : i32 to vector<16xi32>
        %shift_left3A_241 = arith.shli %bitcast3A_238, %shift_left3A_240 : vector<16xi32>
        %bitcast3A_242 = vector.bitcast %shift_left3A_241 : vector<16xi32> to vector<16xf32>
        %and3A_243 = vector.broadcast %scan3A : i32 to vector<16xi32>
        %and3A_244 = arith.andi %bitcast3A_238, %and3A_243 : vector<16xi32>
        %bitcast3A_245 = vector.bitcast %and3A_244 : vector<16xi32> to vector<16xf32>
        %mul3A_246 = vector.broadcast %squeeze3A_232 : f32 to vector<16xf32>
        %mul3A_247 = arith.mulf %bitcast3A_242, %mul3A_246 : vector<16xf32>
        %add3A_248 = arith.constant 4 : i32
        %add3A_249 = arith.addi %mul3A_118, %add3A_248 : i32
        %swap3A_250 = arith.index_cast %add3A_249 : i32 to index
        %swap3A_251 = arith.constant 0 : index
        %swap3A_252 = tpu.vector_load %arg12[%swap3A_250, %swap3A_251] {strides = array<i32>} : memref<128x32xf32, #tpu.memory_space<vmem>>, vector<16xf32>,
        tpu.vector_store %arg12[%swap3A_250, %swap3A_251], %mul3A_247 {strides = array<i32>} : memref<128x32xf32, #tpu.memory_space<vmem>>, vector<16xf32>,
        %mul3A_253 = vector.broadcast %squeeze3A_232 : f32 to vector<16xf32>
        %mul3A_254 = arith.mulf %bitcast3A_245, %mul3A_253 : vector<16xf32>
        %add3A_255 = arith.constant 4 : i32
        %add3A_256 = arith.addi %mul3A_118, %add3A_255 : i32
        %swap3A_257 = arith.index_cast %add3A_256 : i32 to index
        %swap3A_258 = arith.constant 16 : index
        %swap3A_259 = tpu.vector_load %arg12[%swap3A_257, %swap3A_258] {strides = array<i32>} : memref<128x32xf32, #tpu.memory_space<vmem>>, vector<16xf32>,
        tpu.vector_store %arg12[%swap3A_257, %swap3A_258], %mul3A_254 {strides = array<i32>} : memref<128x32xf32, #tpu.memory_space<vmem>>, vector<16xf32>,
        %slice3A_260 = vector.extract_strided_slice %get3A_120 {offsets = [5], sizes = [1], strides = [1]} : vector<16xf32> to vector<1xf32>
        %squeeze3A_261 = vector.extract %slice3A_260[0] : f32 from vector<1xf32>
        %add3A_262 = arith.constant 5 : i32
        %add3A_263 = arith.addi %mul3A_118, %add3A_262 : i32
        %get3A_264 = arith.index_cast %add3A_263 : i32 to index
        %get3A_265 = arith.constant 0 : index
        %get3A_266 = tpu.vector_load %arg10[%get3A_264, %get3A_265] {strides = array<i32>} : memref<128x32xbf16, #tpu.memory_space<vmem>>, vector<32xbf16>,
        %bitcast3A_267 = vector.bitcast %get3A_266 : vector<32xbf16> to vector<16xi32>
        %shift_left3A_268 = arith.constant 16 : i32
        %shift_left3A_269 = vector.broadcast %shift_left3A_268 : i32 to vector<16xi32>
        %shift_left3A_270 = arith.shli %bitcast3A_267, %shift_left3A_269 : vector<16xi32>
        %bitcast3A_271 = vector.bitcast %shift_left3A_270 : vector<16xi32> to vector<16xf32>
        %and3A_272 = vector.broadcast %scan3A : i32 to vector<16xi32>
        %and3A_273 = arith.andi %bitcast3A_267, %and3A_272 : vector<16xi32>
        %bitcast3A_274 = vector.bitcast %and3A_273 : vector<16xi32> to vector<16xf32>
        %mul3A_275 = vector.broadcast %squeeze3A_261 : f32 to vector<16xf32>
        %mul3A_276 = arith.mulf %bitcast3A_271, %mul3A_275 : vector<16xf32>
        %add3A_277 = arith.constant 5 : i32
        %add3A_278 = arith.addi %mul3A_118, %add3A_277 : i32
        %swap3A_279 = arith.index_cast %add3A_278 : i32 to index
        %swap3A_280 = arith.constant 0 : index
        %swap3A_281 = tpu.vector_load %arg12[%swap3A_279, %swap3A_280] {strides = array<i32>} : memref<128x32xf32, #tpu.memory_space<vmem>>, vector<16xf32>,
        tpu.vector_store %arg12[%swap3A_279, %swap3A_280], %mul3A_276 {strides = array<i32>} : memref<128x32xf32, #tpu.memory_space<vmem>>, vector<16xf32>,
        %mul3A_282 = vector.broadcast %squeeze3A_261 : f32 to vector<16xf32>
        %mul3A_283 = arith.mulf %bitcast3A_274, %mul3A_282 : vector<16xf32>
        %add3A_284 = arith.constant 5 : i32
        %add3A_285 = arith.addi %mul3A_118, %add3A_284 : i32
        %swap3A_286 = arith.index_cast %add3A_285 : i32 to index
        %swap3A_287 = arith.constant 16 : index
        %swap3A_288 = tpu.vector_load %arg12[%swap3A_286, %swap3A_287] {strides = array<i32>} : memref<128x32xf32, #tpu.memory_space<vmem>>, vector<16xf32>,
        tpu.vector_store %arg12[%swap3A_286, %swap3A_287], %mul3A_283 {strides = array<i32>} : memref<128x32xf32, #tpu.memory_space<vmem>>, vector<16xf32>,
        %slice3A_289 = vector.extract_strided_slice %get3A_120 {offsets = [6], sizes = [1], strides = [1]} : vector<16xf32> to vector<1xf32>
        %squeeze3A_290 = vector.extract %slice3A_289[0] : f32 from vector<1xf32>
        %add3A_291 = arith.constant 6 : i32
        %add3A_292 = arith.addi %mul3A_118, %add3A_291 : i32
        %get3A_293 = arith.index_cast %add3A_292 : i32 to index
        %get3A_294 = arith.constant 0 : index
        %get3A_295 = tpu.vector_load %arg10[%get3A_293, %get3A_294] {strides = array<i32>} : memref<128x32xbf16, #tpu.memory_space<vmem>>, vector<32xbf16>,
        %bitcast3A_296 = vector.bitcast %get3A_295 : vector<32xbf16> to vector<16xi32>
        %shift_left3A_297 = arith.constant 16 : i32
        %shift_left3A_298 = vector.broadcast %shift_left3A_297 : i32 to vector<16xi32>
        %shift_left3A_299 = arith.shli %bitcast3A_296, %shift_left3A_298 : vector<16xi32>
        %bitcast3A_300 = vector.bitcast %shift_left3A_299 : vector<16xi32> to vector<16xf32>
        %and3A_301 = vector.broadcast %scan3A : i32 to vector<16xi32>
        %and3A_302 = arith.andi %bitcast3A_296, %and3A_301 : vector<16xi32>
        %bitcast3A_303 = vector.bitcast %and3A_302 : vector<16xi32> to vector<16xf32>
        %mul3A_304 = vector.broadcast %squeeze3A_290 : f32 to vector<16xf32>
        %mul3A_305 = arith.mulf %bitcast3A_300, %mul3A_304 : vector<16xf32>
        %add3A_306 = arith.constant 6 : i32
        %add3A_307 = arith.addi %mul3A_118, %add3A_306 : i32
        %swap3A_308 = arith.index_cast %add3A_307 : i32 to index
        %swap3A_309 = arith.constant 0 : index
        %swap3A_310 = tpu.vector_load %arg12[%swap3A_308, %swap3A_309] {strides = array<i32>} : memref<128x32xf32, #tpu.memory_space<vmem>>, vector<16xf32>,
        tpu.vector_store %arg12[%swap3A_308, %swap3A_309], %mul3A_305 {strides = array<i32>} : memref<128x32xf32, #tpu.memory_space<vmem>>, vector<16xf32>,
        %mul3A_311 = vector.broadcast %squeeze3A_290 : f32 to vector<16xf32>
        %mul3A_312 = arith.mulf %bitcast3A_303, %mul3A_311 : vector<16xf32>
        %add3A_313 = arith.constant 6 : i32
        %add3A_314 = arith.addi %mul3A_118, %add3A_313 : i32
        %swap3A_315 = arith.index_cast %add3A_314 : i32 to index
        %swap3A_316 = arith.constant 16 : index
        %swap3A_317 = tpu.vector_load %arg12[%swap3A_315, %swap3A_316] {strides = array<i32>} : memref<128x32xf32, #tpu.memory_space<vmem>>, vector<16xf32>,
        tpu.vector_store %arg12[%swap3A_315, %swap3A_316], %mul3A_312 {strides = array<i32>} : memref<128x32xf32, #tpu.memory_space<vmem>>, vector<16xf32>,
        %slice3A_318 = vector.extract_strided_slice %get3A_120 {offsets = [7], sizes = [1], strides = [1]} : vector<16xf32> to vector<1xf32>
        %squeeze3A_319 = vector.extract %slice3A_318[0] : f32 from vector<1xf32>
        %add3A_320 = arith.constant 7 : i32
        %add3A_321 = arith.addi %mul3A_118, %add3A_320 : i32
        %get3A_322 = arith.index_cast %add3A_321 : i32 to index
        %get3A_323 = arith.constant 0 : index
        %get3A_324 = tpu.vector_load %arg10[%get3A_322, %get3A_323] {strides = array<i32>} : memref<128x32xbf16, #tpu.memory_space<vmem>>, vector<32xbf16>,
        %bitcast3A_325 = vector.bitcast %get3A_324 : vector<32xbf16> to vector<16xi32>
        %shift_left3A_326 = arith.constant 16 : i32
        %shift_left3A_327 = vector.broadcast %shift_left3A_326 : i32 to vector<16xi32>
        %shift_left3A_328 = arith.shli %bitcast3A_325, %shift_left3A_327 : vector<16xi32>
        %bitcast3A_329 = vector.bitcast %shift_left3A_328 : vector<16xi32> to vector<16xf32>
        %and3A_330 = vector.broadcast %scan3A : i32 to vector<16xi32>
        %and3A_331 = arith.andi %bitcast3A_325, %and3A_330 : vector<16xi32>
        %bitcast3A_332 = vector.bitcast %and3A_331 : vector<16xi32> to vector<16xf32>
        %mul3A_333 = vector.broadcast %squeeze3A_319 : f32 to vector<16xf32>
        %mul3A_334 = arith.mulf %bitcast3A_329, %mul3A_333 : vector<16xf32>
        %add3A_335 = arith.constant 7 : i32
        %add3A_336 = arith.addi %mul3A_118, %add3A_335 : i32
        %swap3A_337 = arith.index_cast %add3A_336 : i32 to index
        %swap3A_338 = arith.constant 0 : index
        %swap3A_339 = tpu.vector_load %arg12[%swap3A_337, %swap3A_338] {strides = array<i32>} : memref<128x32xf32, #tpu.memory_space<vmem>>, vector<16xf32>,
        tpu.vector_store %arg12[%swap3A_337, %swap3A_338], %mul3A_334 {strides = array<i32>} : memref<128x32xf32, #tpu.memory_space<vmem>>, vector<16xf32>,
        %mul3A_340 = vector.broadcast %squeeze3A_319 : f32 to vector<16xf32>
        %mul3A_341 = arith.mulf %bitcast3A_332, %mul3A_340 : vector<16xf32>
        %add3A_342 = arith.constant 7 : i32
        %add3A_343 = arith.addi %mul3A_118, %add3A_342 : i32
        %swap3A_344 = arith.index_cast %add3A_343 : i32 to index
        %swap3A_345 = arith.constant 16 : index
        %swap3A_346 = tpu.vector_load %arg12[%swap3A_344, %swap3A_345] {strides = array<i32>} : memref<128x32xf32, #tpu.memory_space<vmem>>, vector<16xf32>,
        tpu.vector_store %arg12[%swap3A_344, %swap3A_345], %mul3A_341 {strides = array<i32>} : memref<128x32xf32, #tpu.memory_space<vmem>>, vector<16xf32>,
        %slice3A_347 = vector.extract_strided_slice %get3A_120 {offsets = [8], sizes = [1], strides = [1]} : vector<16xf32> to vector<1xf32>
        %squeeze3A_348 = vector.extract %slice3A_347[0] : f32 from vector<1xf32>
        %add3A_349 = arith.constant 8 : i32
        %add3A_350 = arith.addi %mul3A_118, %add3A_349 : i32
        %get3A_351 = arith.index_cast %add3A_350 : i32 to index
        %get3A_352 = arith.constant 0 : index
        %get3A_353 = tpu.vector_load %arg10[%get3A_351, %get3A_352] {strides = array<i32>} : memref<128x32xbf16, #tpu.memory_space<vmem>>, vector<32xbf16>,
        %bitcast3A_354 = vector.bitcast %get3A_353 : vector<32xbf16> to vector<16xi32>
        %shift_left3A_355 = arith.constant 16 : i32
        %shift_left3A_356 = vector.broadcast %shift_left3A_355 : i32 to vector<16xi32>
        %shift_left3A_357 = arith.shli %bitcast3A_354, %shift_left3A_356 : vector<16xi32>
        %bitcast3A_358 = vector.bitcast %shift_left3A_357 : vector<16xi32> to vector<16xf32>
        %and3A_359 = vector.broadcast %scan3A : i32 to vector<16xi32>
        %and3A_360 = arith.andi %bitcast3A_354, %and3A_359 : vector<16xi32>
        %bitcast3A_361 = vector.bitcast %and3A_360 : vector<16xi32> to vector<16xf32>
        %mul3A_362 = vector.broadcast %squeeze3A_348 : f32 to vector<16xf32>
        %mul3A_363 = arith.mulf %bitcast3A_358, %mul3A_362 : vector<16xf32>
        %add3A_364 = arith.constant 8 : i32
        %add3A_365 = arith.addi %mul3A_118, %add3A_364 : i32
        %swap3A_366 = arith.index_cast %add3A_365 : i32 to index
        %swap3A_367 = arith.constant 0 : index
        %swap3A_368 = tpu.vector_load %arg12[%swap3A_366, %swap3A_367] {strides = array<i32>} : memref<128x32xf32, #tpu.memory_space<vmem>>, vector<16xf32>,
        tpu.vector_store %arg12[%swap3A_366, %swap3A_367], %mul3A_363 {strides = array<i32>} : memref<128x32xf32, #tpu.memory_space<vmem>>, vector<16xf32>,
        %mul3A_369 = vector.broadcast %squeeze3A_348 : f32 to vector<16xf32>
        %mul3A_370 = arith.mulf %bitcast3A_361, %mul3A_369 : vector<16xf32>
        %add3A_371 = arith.constant 8 : i32
        %add3A_372 = arith.addi %mul3A_118, %add3A_371 : i32
        %swap3A_373 = arith.index_cast %add3A_372 : i32 to index
        %swap3A_374 = arith.constant 16 : index
        %swap3A_375 = tpu.vector_load %arg12[%swap3A_373, %swap3A_374] {strides = array<i32>} : memref<128x32xf32, #tpu.memory_space<vmem>>, vector<16xf32>,
        tpu.vector_store %arg12[%swap3A_373, %swap3A_374], %mul3A_370 {strides = array<i32>} : memref<128x32xf32, #tpu.memory_space<vmem>>, vector<16xf32>,
        %slice3A_376 = vector.extract_strided_slice %get3A_120 {offsets = [9], sizes = [1], strides = [1]} : vector<16xf32> to vector<1xf32>
        %squeeze3A_377 = vector.extract %slice3A_376[0] : f32 from vector<1xf32>
        %add3A_378 = arith.constant 9 : i32
        %add3A_379 = arith.addi %mul3A_118, %add3A_378 : i32
        %get3A_380 = arith.index_cast %add3A_379 : i32 to index
        %get3A_381 = arith.constant 0 : index
        %get3A_382 = tpu.vector_load %arg10[%get3A_380, %get3A_381] {strides = array<i32>} : memref<128x32xbf16, #tpu.memory_space<vmem>>, vector<32xbf16>,
        %bitcast3A_383 = vector.bitcast %get3A_382 : vector<32xbf16> to vector<16xi32>
        %shift_left3A_384 = arith.constant 16 : i32
        %shift_left3A_385 = vector.broadcast %shift_left3A_384 : i32 to vector<16xi32>
        %shift_left3A_386 = arith.shli %bitcast3A_383, %shift_left3A_385 : vector<16xi32>
        %bitcast3A_387 = vector.bitcast %shift_left3A_386 : vector<16xi32> to vector<16xf32>
        %and3A_388 = vector.broadcast %scan3A : i32 to vector<16xi32>
        %and3A_389 = arith.andi %bitcast3A_383, %and3A_388 : vector<16xi32>
        %bitcast3A_390 = vector.bitcast %and3A_389 : vector<16xi32> to vector<16xf32>
        %mul3A_391 = vector.broadcast %squeeze3A_377 : f32 to vector<16xf32>
        %mul3A_392 = arith.mulf %bitcast3A_387, %mul3A_391 : vector<16xf32>
        %add3A_393 = arith.constant 9 : i32
        %add3A_394 = arith.addi %mul3A_118, %add3A_393 : i32
        %swap3A_395 = arith.index_cast %add3A_394 : i32 to index
        %swap3A_396 = arith.constant 0 : index
        %swap3A_397 = tpu.vector_load %arg12[%swap3A_395, %swap3A_396] {strides = array<i32>} : memref<128x32xf32, #tpu.memory_space<vmem>>, vector<16xf32>,
        tpu.vector_store %arg12[%swap3A_395, %swap3A_396], %mul3A_392 {strides = array<i32>} : memref<128x32xf32, #tpu.memory_space<vmem>>, vector<16xf32>,
        %mul3A_398 = vector.broadcast %squeeze3A_377 : f32 to vector<16xf32>
        %mul3A_399 = arith.mulf %bitcast3A_390, %mul3A_398 : vector<16xf32>
        %add3A_400 = arith.constant 9 : i32
        %add3A_401 = arith.addi %mul3A_118, %add3A_400 : i32
        %swap3A_402 = arith.index_cast %add3A_401 : i32 to index
        %swap3A_403 = arith.constant 16 : index
        %swap3A_404 = tpu.vector_load %arg12[%swap3A_402, %swap3A_403] {strides = array<i32>} : memref<128x32xf32, #tpu.memory_space<vmem>>, vector<16xf32>,
        tpu.vector_store %arg12[%swap3A_402, %swap3A_403], %mul3A_399 {strides = array<i32>} : memref<128x32xf32, #tpu.memory_space<vmem>>, vector<16xf32>,
        %slice3A_405 = vector.extract_strided_slice %get3A_120 {offsets = [10], sizes = [1], strides = [1]} : vector<16xf32> to vector<1xf32>
        %squeeze3A_406 = vector.extract %slice3A_405[0] : f32 from vector<1xf32>
        %add3A_407 = arith.constant 10 : i32
        %add3A_408 = arith.addi %mul3A_118, %add3A_407 : i32
        %get3A_409 = arith.index_cast %add3A_408 : i32 to index
        %get3A_410 = arith.constant 0 : index
        %get3A_411 = tpu.vector_load %arg10[%get3A_409, %get3A_410] {strides = array<i32>} : memref<128x32xbf16, #tpu.memory_space<vmem>>, vector<32xbf16>,
        %bitcast3A_412 = vector.bitcast %get3A_411 : vector<32xbf16> to vector<16xi32>
        %shift_left3A_413 = arith.constant 16 : i32
        %shift_left3A_414 = vector.broadcast %shift_left3A_413 : i32 to vector<16xi32>
        %shift_left3A_415 = arith.shli %bitcast3A_412, %shift_left3A_414 : vector<16xi32>
        %bitcast3A_416 = vector.bitcast %shift_left3A_415 : vector<16xi32> to vector<16xf32>
        %and3A_417 = vector.broadcast %scan3A : i32 to vector<16xi32>
        %and3A_418 = arith.andi %bitcast3A_412, %and3A_417 : vector<16xi32>
        %bitcast3A_419 = vector.bitcast %and3A_418 : vector<16xi32> to vector<16xf32>
        %mul3A_420 = vector.broadcast %squeeze3A_406 : f32 to vector<16xf32>
        %mul3A_421 = arith.mulf %bitcast3A_416, %mul3A_420 : vector<16xf32>
        %add3A_422 = arith.constant 10 : i32
        %add3A_423 = arith.addi %mul3A_118, %add3A_422 : i32
        %swap3A_424 = arith.index_cast %add3A_423 : i32 to index
        %swap3A_425 = arith.constant 0 : index
        %swap3A_426 = tpu.vector_load %arg12[%swap3A_424, %swap3A_425] {strides = array<i32>} : memref<128x32xf32, #tpu.memory_space<vmem>>, vector<16xf32>,
        tpu.vector_store %arg12[%swap3A_424, %swap3A_425], %mul3A_421 {strides = array<i32>} : memref<128x32xf32, #tpu.memory_space<vmem>>, vector<16xf32>,
        %mul3A_427 = vector.broadcast %squeeze3A_406 : f32 to vector<16xf32>
        %mul3A_428 = arith.mulf %bitcast3A_419, %mul3A_427 : vector<16xf32>
        %add3A_429 = arith.constant 10 : i32
        %add3A_430 = arith.addi %mul3A_118, %add3A_429 : i32
        %swap3A_431 = arith.index_cast %add3A_430 : i32 to index
        %swap3A_432 = arith.constant 16 : index
        %swap3A_433 = tpu.vector_load %arg12[%swap3A_431, %swap3A_432] {strides = array<i32>} : memref<128x32xf32, #tpu.memory_space<vmem>>, vector<16xf32>,
        tpu.vector_store %arg12[%swap3A_431, %swap3A_432], %mul3A_428 {strides = array<i32>} : memref<128x32xf32, #tpu.memory_space<vmem>>, vector<16xf32>,
        %slice3A_434 = vector.extract_strided_slice %get3A_120 {offsets = [11], sizes = [1], strides = [1]} : vector<16xf32> to vector<1xf32>
        %squeeze3A_435 = vector.extract %slice3A_434[0] : f32 from vector<1xf32>
        %add3A_436 = arith.constant 11 : i32
        %add3A_437 = arith.addi %mul3A_118, %add3A_436 : i32
        %get3A_438 = arith.index_cast %add3A_437 : i32 to index
        %get3A_439 = arith.constant 0 : index
        %get3A_440 = tpu.vector_load %arg10[%get3A_438, %get3A_439] {strides = array<i32>} : memref<128x32xbf16, #tpu.memory_space<vmem>>, vector<32xbf16>,
        %bitcast3A_441 = vector.bitcast %get3A_440 : vector<32xbf16> to vector<16xi32>
        %shift_left3A_442 = arith.constant 16 : i32
        %shift_left3A_443 = vector.broadcast %shift_left3A_442 : i32 to vector<16xi32>
        %shift_left3A_444 = arith.shli %bitcast3A_441, %shift_left3A_443 : vector<16xi32>
        %bitcast3A_445 = vector.bitcast %shift_left3A_444 : vector<16xi32> to vector<16xf32>
        %and3A_446 = vector.broadcast %scan3A : i32 to vector<16xi32>
        %and3A_447 = arith.andi %bitcast3A_441, %and3A_446 : vector<16xi32>
        %bitcast3A_448 = vector.bitcast %and3A_447 : vector<16xi32> to vector<16xf32>
        %mul3A_449 = vector.broadcast %squeeze3A_435 : f32 to vector<16xf32>
        %mul3A_450 = arith.mulf %bitcast3A_445, %mul3A_449 : vector<16xf32>
        %add3A_451 = arith.constant 11 : i32
        %add3A_452 = arith.addi %mul3A_118, %add3A_451 : i32
        %swap3A_453 = arith.index_cast %add3A_452 : i32 to index
        %swap3A_454 = arith.constant 0 : index
        %swap3A_455 = tpu.vector_load %arg12[%swap3A_453, %swap3A_454] {strides = array<i32>} : memref<128x32xf32, #tpu.memory_space<vmem>>, vector<16xf32>,
        tpu.vector_store %arg12[%swap3A_453, %swap3A_454], %mul3A_450 {strides = array<i32>} : memref<128x32xf32, #tpu.memory_space<vmem>>, vector<16xf32>,
        %mul3A_456 = vector.broadcast %squeeze3A_435 : f32 to vector<16xf32>
        %mul3A_457 = arith.mulf %bitcast3A_448, %mul3A_456 : vector<16xf32>
        %add3A_458 = arith.constant 11 : i32
        %add3A_459 = arith.addi %mul3A_118, %add3A_458 : i32
        %swap3A_460 = arith.index_cast %add3A_459 : i32 to index
        %swap3A_461 = arith.constant 16 : index
        %swap3A_462 = tpu.vector_load %arg12[%swap3A_460, %swap3A_461] {strides = array<i32>} : memref<128x32xf32, #tpu.memory_space<vmem>>, vector<16xf32>,
        tpu.vector_store %arg12[%swap3A_460, %swap3A_461], %mul3A_457 {strides = array<i32>} : memref<128x32xf32, #tpu.memory_space<vmem>>, vector<16xf32>,
        %slice3A_463 = vector.extract_strided_slice %get3A_120 {offsets = [12], sizes = [1], strides = [1]} : vector<16xf32> to vector<1xf32>
        %squeeze3A_464 = vector.extract %slice3A_463[0] : f32 from vector<1xf32>
        %add3A_465 = arith.constant 12 : i32
        %add3A_466 = arith.addi %mul3A_118, %add3A_465 : i32
        %get3A_467 = arith.index_cast %add3A_466 : i32 to index
        %get3A_468 = arith.constant 0 : index
        %get3A_469 = tpu.vector_load %arg10[%get3A_467, %get3A_468] {strides = array<i32>} : memref<128x32xbf16, #tpu.memory_space<vmem>>, vector<32xbf16>,
        %bitcast3A_470 = vector.bitcast %get3A_469 : vector<32xbf16> to vector<16xi32>
        %shift_left3A_471 = arith.constant 16 : i32
        %shift_left3A_472 = vector.broadcast %shift_left3A_471 : i32 to vector<16xi32>
        %shift_left3A_473 = arith.shli %bitcast3A_470, %shift_left3A_472 : vector<16xi32>
        %bitcast3A_474 = vector.bitcast %shift_left3A_473 : vector<16xi32> to vector<16xf32>
        %and3A_475 = vector.broadcast %scan3A : i32 to vector<16xi32>
        %and3A_476 = arith.andi %bitcast3A_470, %and3A_475 : vector<16xi32>
        %bitcast3A_477 = vector.bitcast %and3A_476 : vector<16xi32> to vector<16xf32>
        %mul3A_478 = vector.broadcast %squeeze3A_464 : f32 to vector<16xf32>
        %mul3A_479 = arith.mulf %bitcast3A_474, %mul3A_478 : vector<16xf32>
        %add3A_480 = arith.constant 12 : i32
        %add3A_481 = arith.addi %mul3A_118, %add3A_480 : i32
        %swap3A_482 = arith.index_cast %add3A_481 : i32 to index
        %swap3A_483 = arith.constant 0 : index
        %swap3A_484 = tpu.vector_load %arg12[%swap3A_482, %swap3A_483] {strides = array<i32>} : memref<128x32xf32, #tpu.memory_space<vmem>>, vector<16xf32>,
        tpu.vector_store %arg12[%swap3A_482, %swap3A_483], %mul3A_479 {strides = array<i32>} : memref<128x32xf32, #tpu.memory_space<vmem>>, vector<16xf32>,
        %mul3A_485 = vector.broadcast %squeeze3A_464 : f32 to vector<16xf32>
        %mul3A_486 = arith.mulf %bitcast3A_477, %mul3A_485 : vector<16xf32>
        %add3A_487 = arith.constant 12 : i32
        %add3A_488 = arith.addi %mul3A_118, %add3A_487 : i32
        %swap3A_489 = arith.index_cast %add3A_488 : i32 to index
        %swap3A_490 = arith.constant 16 : index
        %swap3A_491 = tpu.vector_load %arg12[%swap3A_489, %swap3A_490] {strides = array<i32>} : memref<128x32xf32, #tpu.memory_space<vmem>>, vector<16xf32>,
        tpu.vector_store %arg12[%swap3A_489, %swap3A_490], %mul3A_486 {strides = array<i32>} : memref<128x32xf32, #tpu.memory_space<vmem>>, vector<16xf32>,
        %slice3A_492 = vector.extract_strided_slice %get3A_120 {offsets = [13], sizes = [1], strides = [1]} : vector<16xf32> to vector<1xf32>
        %squeeze3A_493 = vector.extract %slice3A_492[0] : f32 from vector<1xf32>
        %add3A_494 = arith.constant 13 : i32
        %add3A_495 = arith.addi %mul3A_118, %add3A_494 : i32
        %get3A_496 = arith.index_cast %add3A_495 : i32 to index
        %get3A_497 = arith.constant 0 : index
        %get3A_498 = tpu.vector_load %arg10[%get3A_496, %get3A_497] {strides = array<i32>} : memref<128x32xbf16, #tpu.memory_space<vmem>>, vector<32xbf16>,
        %bitcast3A_499 = vector.bitcast %get3A_498 : vector<32xbf16> to vector<16xi32>
        %shift_left3A_500 = arith.constant 16 : i32
        %shift_left3A_501 = vector.broadcast %shift_left3A_500 : i32 to vector<16xi32>
        %shift_left3A_502 = arith.shli %bitcast3A_499, %shift_left3A_501 : vector<16xi32>
        %bitcast3A_503 = vector.bitcast %shift_left3A_502 : vector<16xi32> to vector<16xf32>
        %and3A_504 = vector.broadcast %scan3A : i32 to vector<16xi32>
        %and3A_505 = arith.andi %bitcast3A_499, %and3A_504 : vector<16xi32>
        %bitcast3A_506 = vector.bitcast %and3A_505 : vector<16xi32> to vector<16xf32>
        %mul3A_507 = vector.broadcast %squeeze3A_493 : f32 to vector<16xf32>
        %mul3A_508 = arith.mulf %bitcast3A_503, %mul3A_507 : vector<16xf32>
        %add3A_509 = arith.constant 13 : i32
        %add3A_510 = arith.addi %mul3A_118, %add3A_509 : i32
        %swap3A_511 = arith.index_cast %add3A_510 : i32 to index
        %swap3A_512 = arith.constant 0 : index
        %swap3A_513 = tpu.vector_load %arg12[%swap3A_511, %swap3A_512] {strides = array<i32>} : memref<128x32xf32, #tpu.memory_space<vmem>>, vector<16xf32>,
        tpu.vector_store %arg12[%swap3A_511, %swap3A_512], %mul3A_508 {strides = array<i32>} : memref<128x32xf32, #tpu.memory_space<vmem>>, vector<16xf32>,
        %mul3A_514 = vector.broadcast %squeeze3A_493 : f32 to vector<16xf32>
        %mul3A_515 = arith.mulf %bitcast3A_506, %mul3A_514 : vector<16xf32>
        %add3A_516 = arith.constant 13 : i32
        %add3A_517 = arith.addi %mul3A_118, %add3A_516 : i32
        %swap3A_518 = arith.index_cast %add3A_517 : i32 to index
        %swap3A_519 = arith.constant 16 : index
        %swap3A_520 = tpu.vector_load %arg12[%swap3A_518, %swap3A_519] {strides = array<i32>} : memref<128x32xf32, #tpu.memory_space<vmem>>, vector<16xf32>,
        tpu.vector_store %arg12[%swap3A_518, %swap3A_519], %mul3A_515 {strides = array<i32>} : memref<128x32xf32, #tpu.memory_space<vmem>>, vector<16xf32>,
        %slice3A_521 = vector.extract_strided_slice %get3A_120 {offsets = [14], sizes = [1], strides = [1]} : vector<16xf32> to vector<1xf32>
        %squeeze3A_522 = vector.extract %slice3A_521[0] : f32 from vector<1xf32>
        %add3A_523 = arith.constant 14 : i32
        %add3A_524 = arith.addi %mul3A_118, %add3A_523 : i32
        %get3A_525 = arith.index_cast %add3A_524 : i32 to index
        %get3A_526 = arith.constant 0 : index
        %get3A_527 = tpu.vector_load %arg10[%get3A_525, %get3A_526] {strides = array<i32>} : memref<128x32xbf16, #tpu.memory_space<vmem>>, vector<32xbf16>,
        %bitcast3A_528 = vector.bitcast %get3A_527 : vector<32xbf16> to vector<16xi32>
        %shift_left3A_529 = arith.constant 16 : i32
        %shift_left3A_530 = vector.broadcast %shift_left3A_529 : i32 to vector<16xi32>
        %shift_left3A_531 = arith.shli %bitcast3A_528, %shift_left3A_530 : vector<16xi32>
        %bitcast3A_532 = vector.bitcast %shift_left3A_531 : vector<16xi32> to vector<16xf32>
        %and3A_533 = vector.broadcast %scan3A : i32 to vector<16xi32>
        %and3A_534 = arith.andi %bitcast3A_528, %and3A_533 : vector<16xi32>
        %bitcast3A_535 = vector.bitcast %and3A_534 : vector<16xi32> to vector<16xf32>
        %mul3A_536 = vector.broadcast %squeeze3A_522 : f32 to vector<16xf32>
        %mul3A_537 = arith.mulf %bitcast3A_532, %mul3A_536 : vector<16xf32>
        %add3A_538 = arith.constant 14 : i32
        %add3A_539 = arith.addi %mul3A_118, %add3A_538 : i32
        %swap3A_540 = arith.index_cast %add3A_539 : i32 to index
        %swap3A_541 = arith.constant 0 : index
        %swap3A_542 = tpu.vector_load %arg12[%swap3A_540, %swap3A_541] {strides = array<i32>} : memref<128x32xf32, #tpu.memory_space<vmem>>, vector<16xf32>,
        tpu.vector_store %arg12[%swap3A_540, %swap3A_541], %mul3A_537 {strides = array<i32>} : memref<128x32xf32, #tpu.memory_space<vmem>>, vector<16xf32>,
        %mul3A_543 = vector.broadcast %squeeze3A_522 : f32 to vector<16xf32>
        %mul3A_544 = arith.mulf %bitcast3A_535, %mul3A_543 : vector<16xf32>
        %add3A_545 = arith.constant 14 : i32
        %add3A_546 = arith.addi %mul3A_118, %add3A_545 : i32
        %swap3A_547 = arith.index_cast %add3A_546 : i32 to index
        %swap3A_548 = arith.constant 16 : index
        %swap3A_549 = tpu.vector_load %arg12[%swap3A_547, %swap3A_548] {strides = array<i32>} : memref<128x32xf32, #tpu.memory_space<vmem>>, vector<16xf32>,
        tpu.vector_store %arg12[%swap3A_547, %swap3A_548], %mul3A_544 {strides = array<i32>} : memref<128x32xf32, #tpu.memory_space<vmem>>, vector<16xf32>,
        %slice3A_550 = vector.extract_strided_slice %get3A_120 {offsets = [15], sizes = [1], strides = [1]} : vector<16xf32> to vector<1xf32>
        %squeeze3A_551 = vector.extract %slice3A_550[0] : f32 from vector<1xf32>
        %add3A_552 = arith.constant 15 : i32
        %add3A_553 = arith.addi %mul3A_118, %add3A_552 : i32
        %get3A_554 = arith.index_cast %add3A_553 : i32 to index
        %get3A_555 = arith.constant 0 : index
        %get3A_556 = tpu.vector_load %arg10[%get3A_554, %get3A_555] {strides = array<i32>} : memref<128x32xbf16, #tpu.memory_space<vmem>>, vector<32xbf16>,
        %bitcast3A_557 = vector.bitcast %get3A_556 : vector<32xbf16> to vector<16xi32>
        %shift_left3A_558 = arith.constant 16 : i32
        %shift_left3A_559 = vector.broadcast %shift_left3A_558 : i32 to vector<16xi32>
        %shift_left3A_560 = arith.shli %bitcast3A_557, %shift_left3A_559 : vector<16xi32>
        %bitcast3A_561 = vector.bitcast %shift_left3A_560 : vector<16xi32> to vector<16xf32>
        %and3A_562 = vector.broadcast %scan3A : i32 to vector<16xi32>
        %and3A_563 = arith.andi %bitcast3A_557, %and3A_562 : vector<16xi32>
        %bitcast3A_564 = vector.bitcast %and3A_563 : vector<16xi32> to vector<16xf32>
        %mul3A_565 = vector.broadcast %squeeze3A_551 : f32 to vector<16xf32>
        %mul3A_566 = arith.mulf %bitcast3A_561, %mul3A_565 : vector<16xf32>
        %add3A_567 = arith.constant 15 : i32
        %add3A_568 = arith.addi %mul3A_118, %add3A_567 : i32
        %swap3A_569 = arith.index_cast %add3A_568 : i32 to index
        %swap3A_570 = arith.constant 0 : index
        %swap3A_571 = tpu.vector_load %arg12[%swap3A_569, %swap3A_570] {strides = array<i32>} : memref<128x32xf32, #tpu.memory_space<vmem>>, vector<16xf32>,
        tpu.vector_store %arg12[%swap3A_569, %swap3A_570], %mul3A_566 {strides = array<i32>} : memref<128x32xf32, #tpu.memory_space<vmem>>, vector<16xf32>,
        %mul3A_572 = vector.broadcast %squeeze3A_551 : f32 to vector<16xf32>
        %mul3A_573 = arith.mulf %bitcast3A_564, %mul3A_572 : vector<16xf32>
        %add3A_574 = arith.constant 15 : i32
        %add3A_575 = arith.addi %mul3A_118, %add3A_574 : i32
        %swap3A_576 = arith.index_cast %add3A_575 : i32 to index
        %swap3A_577 = arith.constant 16 : index
        %swap3A_578 = tpu.vector_load %arg12[%swap3A_576, %swap3A_577] {strides = array<i32>} : memref<128x32xf32, #tpu.memory_space<vmem>>, vector<16xf32>,
        tpu.vector_store %arg12[%swap3A_576, %swap3A_577], %mul3A_573 {strides = array<i32>} : memref<128x32xf32, #tpu.memory_space<vmem>>, vector<16xf32>,
        %scan3A_579 = arith.constant 0 : i32
        scf.yield %scan3A_579 : i32
      }
      %scan3A_74 = arith.constant 8 : i32
      %dma_start3A_75 = arith.constant 0 : i32
      %dma_start3A_76 = tpu.memref_slice %arg8[%mul3A_47, %dma_start3A_75] : memref<80x128xi32, #tpu.memory_space<vmem>> -> memref<1x128xi32, #tpu.memory_space<vmem>>
      %dma_start3A_77 = tpu.memref_squeeze %dma_start3A_76 : memref<1x128xi32, #tpu.memory_space<vmem>> -> memref<128xi32, #tpu.memory_space<vmem>>
      %dma_start3A_78 = arith.constant 0 : i32
      %dma_start3A_79 = arith.constant 0 : i32
      %dma_start3A_80 = tpu.memref_slice %arg14[%dma_start3A_78, %dma_start3A_79] : memref<10240x32xf32, #tpu.memory_space<vmem_shared>> -> memref<10240x32xf32, #tpu.memory_space<vmem_shared>>
      tpu.enqueue_indirect_dma source(%arg12 : memref<128x32xf32, #tpu.memory_space<vmem>>) target(%dma_start3A_80 : memref<10240x32xf32, #tpu.memory_space<vmem_shared>>) offsets(%dma_start3A_77 : memref<128xi32, #tpu.memory_space<vmem>>) semaphore(%arg17 : memref<!tpu.dma_semaphore, #tpu.memory_space<semaphore_mem>>) {add = true}
      %add3A_81 = arith.constant 2 : i32
      %add3A_82 = arith.addi %mul3A_47, %add3A_81 : i32
      %min3A = arith.constant 79 : i32
      %min3A_83 = arith.minsi %add3A_82, %min3A : i32
      %dma_start3A_84 = arith.constant 0 : i32
      %dma_start3A_85 = tpu.memref_slice %arg7[%min3A_83, %dma_start3A_84] : memref<80x128xi32, #tpu.memory_space<vmem>> -> memref<1x128xi32, #tpu.memory_space<vmem>>
      %dma_start3A_86 = tpu.memref_squeeze %dma_start3A_85 : memref<1x128xi32, #tpu.memory_space<vmem>> -> memref<128xi32, #tpu.memory_space<vmem>>
      %dma_start3A_87 = arith.constant 0 : i32
      %dma_start3A_88 = arith.constant 0 : i32
      %dma_start3A_89 = tpu.memref_slice %arg2[%dma_start3A_87, %dma_start3A_88] : memref<10000x32xbf16, #tpu.memory_space<hbm>> -> memref<10000x32xbf16, #tpu.memory_space<hbm>>
      tpu.enqueue_indirect_dma source(%dma_start3A_89 : memref<10000x32xbf16, #tpu.memory_space<hbm>>) target(%arg10 : memref<128x32xbf16, #tpu.memory_space<vmem>>) offsets(%dma_start3A_86 : memref<128xi32, #tpu.memory_space<vmem>>) semaphore(%arg15 : memref<!tpu.dma_semaphore, #tpu.memory_space<semaphore_mem>>)
      %dma_wait3A_90 = arith.constant 0 : i32
      %dma_wait3A_91 = arith.constant 0 : i32
      %dma_wait3A_92 = tpu.memref_slice %arg2[%dma_wait3A_90, %dma_wait3A_91] : memref<10000x32xbf16, #tpu.memory_space<hbm>> -> memref<128x32xbf16, #tpu.memory_space<hbm>>
      %dma_wait3A_93 = arith.constant 0 : i32
      %dma_wait3A_94 = arith.constant 0 : i32
      %dma_wait3A_95 = tpu.memref_slice %arg2[%dma_wait3A_93, %dma_wait3A_94] : memref<10000x32xbf16, #tpu.memory_space<hbm>> -> memref<128x32xbf16, #tpu.memory_space<hbm>>
      tpu.wait_dma2 semaphore(%arg16 : memref<!tpu.dma_semaphore, #tpu.memory_space<semaphore_mem>>) src(%dma_wait3A_95 : memref<128x32xbf16, #tpu.memory_space<hbm>>) dst(%arg11 : memref<128x32xbf16, #tpu.memory_space<vmem>>)
      %gt3A_96 = arith.constant 0 : i32
      %gt3A_97 = arith.cmpi sgt, %scan3A_44, %gt3A_96 : i32
      %convert_element_type3A_98 = arith.extui %gt3A_97 : i1 to i32
      %cond3A_99 = arith.constant 0 : i32
      %cond3A_100 = arith.cmpi ne, %convert_element_type3A_98, %cond3A_99 : i32
      scf.if %cond3A_100 {
        %dma_wait3A_115 = arith.constant 0 : i32
        %dma_wait3A_116 = arith.constant 0 : i32
        %dma_wait3A_117 = tpu.memref_slice %arg14[%dma_wait3A_115, %dma_wait3A_116] : memref<10240x32xf32, #tpu.memory_space<vmem_shared>> -> memref<128x32xf32, #tpu.memory_space<vmem_shared>>
        %dma_wait3A_118 = arith.constant 0 : i32
        %dma_wait3A_119 = arith.constant 0 : i32
        %dma_wait3A_120 = tpu.memref_slice %arg14[%dma_wait3A_118, %dma_wait3A_119] : memref<10240x32xf32, #tpu.memory_space<vmem_shared>> -> memref<128x32xf32, #tpu.memory_space<vmem_shared>>
        tpu.wait_dma2 semaphore(%arg18 : memref<!tpu.dma_semaphore, #tpu.memory_space<semaphore_mem>>) src(%arg13 : memref<128x32xf32, #tpu.memory_space<vmem>>) dst(%dma_wait3A_120 : memref<128x32xf32, #tpu.memory_space<vmem_shared>>)
      } else {
      }
      %scan3A_101 = arith.constant 0 : i32
      %scan3A_102 = arith.constant 0 : i32
      %scan3A_103 = arith.constant 8 : i32
      %scan3A_104 = arith.addi %scan3A_102, %scan3A_103 : i32
      %scan3A_105 = arith.constant 1 : i32
      %scan3A_106 = scf.for %scan3A_115 = %scan3A_102 to %scan3A_104 step %scan3A_105 iter_args(%scan3A_116 = %scan3A_101) -> (i32)  : i32 {
        %mul3A_117 = arith.constant 16 : i32
        %mul3A_118 = arith.muli %scan3A_115, %mul3A_117 : i32
        %get3A = arith.index_cast %add3A_51 : i32 to index
        %get3A_119 = arith.index_cast %mul3A_118 : i32 to index
        %get3A_120 = tpu.vector_load %arg9[%get3A, %get3A_119] {strides = array<i32>} : memref<80x128xf32, #tpu.memory_space<vmem>>, vector<16xf32>,
        %slice3A = vector.extract_strided_slice %get3A_120 {offsets = [0], sizes = [1], strides = [1]} : vector<16xf32> to vector<1xf32>
        %squeeze3A = vector.extract %slice3A[0] : f32 from vector<1xf32>
        %add3A_121 = arith.constant 0 : i32
        %add3A_122 = arith.addi %mul3A_118, %add3A_121 : i32
        %get3A_123 = arith.index_cast %add3A_122 : i32 to index
        %get3A_124 = arith.constant 0 : index
        %get3A_125 = tpu.vector_load %arg11[%get3A_123, %get3A_124] {strides = array<i32>} : memref<128x32xbf16, #tpu.memory_space<vmem>>, vector<32xbf16>,
        %bitcast3A = vector.bitcast %get3A_125 : vector<32xbf16> to vector<16xi32>
        %shift_left3A = arith.constant 16 : i32
        %shift_left3A_126 = vector.broadcast %shift_left3A : i32 to vector<16xi32>
        %shift_left3A_127 = arith.shli %bitcast3A, %shift_left3A_126 : vector<16xi32>
        %bitcast3A_128 = vector.bitcast %shift_left3A_127 : vector<16xi32> to vector<16xf32>
        %and3A = vector.broadcast %scan3A : i32 to vector<16xi32>
        %and3A_129 = arith.andi %bitcast3A, %and3A : vector<16xi32>
        %bitcast3A_130 = vector.bitcast %and3A_129 : vector<16xi32> to vector<16xf32>
        %mul3A_131 = vector.broadcast %squeeze3A : f32 to vector<16xf32>
        %mul3A_132 = arith.mulf %bitcast3A_128, %mul3A_131 : vector<16xf32>
        %add3A_133 = arith.constant 0 : i32
        %add3A_134 = arith.addi %mul3A_118, %add3A_133 : i32
        %swap3A = arith.index_cast %add3A_134 : i32 to index
        %swap3A_135 = arith.constant 0 : index
        %swap3A_136 = tpu.vector_load %arg13[%swap3A, %swap3A_135] {strides = array<i32>} : memref<128x32xf32, #tpu.memory_space<vmem>>, vector<16xf32>,
        tpu.vector_store %arg13[%swap3A, %swap3A_135], %mul3A_132 {strides = array<i32>} : memref<128x32xf32, #tpu.memory_space<vmem>>, vector<16xf32>,
        %mul3A_137 = vector.broadcast %squeeze3A : f32 to vector<16xf32>
        %mul3A_138 = arith.mulf %bitcast3A_130, %mul3A_137 : vector<16xf32>
        %add3A_139 = arith.constant 0 : i32
        %add3A_140 = arith.addi %mul3A_118, %add3A_139 : i32
        %swap3A_141 = arith.index_cast %add3A_140 : i32 to index
        %swap3A_142 = arith.constant 16 : index
        %swap3A_143 = tpu.vector_load %arg13[%swap3A_141, %swap3A_142] {strides = array<i32>} : memref<128x32xf32, #tpu.memory_space<vmem>>, vector<16xf32>,
        tpu.vector_store %arg13[%swap3A_141, %swap3A_142], %mul3A_138 {strides = array<i32>} : memref<128x32xf32, #tpu.memory_space<vmem>>, vector<16xf32>,
        %slice3A_144 = vector.extract_strided_slice %get3A_120 {offsets = [1], sizes = [1], strides = [1]} : vector<16xf32> to vector<1xf32>
        %squeeze3A_145 = vector.extract %slice3A_144[0] : f32 from vector<1xf32>
        %add3A_146 = arith.constant 1 : i32
        %add3A_147 = arith.addi %mul3A_118, %add3A_146 : i32
        %get3A_148 = arith.index_cast %add3A_147 : i32 to index
        %get3A_149 = arith.constant 0 : index
        %get3A_150 = tpu.vector_load %arg11[%get3A_148, %get3A_149] {strides = array<i32>} : memref<128x32xbf16, #tpu.memory_space<vmem>>, vector<32xbf16>,
        %bitcast3A_151 = vector.bitcast %get3A_150 : vector<32xbf16> to vector<16xi32>
        %shift_left3A_152 = arith.constant 16 : i32
        %shift_left3A_153 = vector.broadcast %shift_left3A_152 : i32 to vector<16xi32>
        %shift_left3A_154 = arith.shli %bitcast3A_151, %shift_left3A_153 : vector<16xi32>
        %bitcast3A_155 = vector.bitcast %shift_left3A_154 : vector<16xi32> to vector<16xf32>
        %and3A_156 = vector.broadcast %scan3A : i32 to vector<16xi32>
        %and3A_157 = arith.andi %bitcast3A_151, %and3A_156 : vector<16xi32>
        %bitcast3A_158 = vector.bitcast %and3A_157 : vector<16xi32> to vector<16xf32>
        %mul3A_159 = vector.broadcast %squeeze3A_145 : f32 to vector<16xf32>
        %mul3A_160 = arith.mulf %bitcast3A_155, %mul3A_159 : vector<16xf32>
        %add3A_161 = arith.constant 1 : i32
        %add3A_162 = arith.addi %mul3A_118, %add3A_161 : i32
        %swap3A_163 = arith.index_cast %add3A_162 : i32 to index
        %swap3A_164 = arith.constant 0 : index
        %swap3A_165 = tpu.vector_load %arg13[%swap3A_163, %swap3A_164] {strides = array<i32>} : memref<128x32xf32, #tpu.memory_space<vmem>>, vector<16xf32>,
        tpu.vector_store %arg13[%swap3A_163, %swap3A_164], %mul3A_160 {strides = array<i32>} : memref<128x32xf32, #tpu.memory_space<vmem>>, vector<16xf32>,
        %mul3A_166 = vector.broadcast %squeeze3A_145 : f32 to vector<16xf32>
        %mul3A_167 = arith.mulf %bitcast3A_158, %mul3A_166 : vector<16xf32>
        %add3A_168 = arith.constant 1 : i32
        %add3A_169 = arith.addi %mul3A_118, %add3A_168 : i32
        %swap3A_170 = arith.index_cast %add3A_169 : i32 to index
        %swap3A_171 = arith.constant 16 : index
        %swap3A_172 = tpu.vector_load %arg13[%swap3A_170, %swap3A_171] {strides = array<i32>} : memref<128x32xf32, #tpu.memory_space<vmem>>, vector<16xf32>,
        tpu.vector_store %arg13[%swap3A_170, %swap3A_171], %mul3A_167 {strides = array<i32>} : memref<128x32xf32, #tpu.memory_space<vmem>>, vector<16xf32>,
        %slice3A_173 = vector.extract_strided_slice %get3A_120 {offsets = [2], sizes = [1], strides = [1]} : vector<16xf32> to vector<1xf32>
        %squeeze3A_174 = vector.extract %slice3A_173[0] : f32 from vector<1xf32>
        %add3A_175 = arith.constant 2 : i32
        %add3A_176 = arith.addi %mul3A_118, %add3A_175 : i32
        %get3A_177 = arith.index_cast %add3A_176 : i32 to index
        %get3A_178 = arith.constant 0 : index
        %get3A_179 = tpu.vector_load %arg11[%get3A_177, %get3A_178] {strides = array<i32>} : memref<128x32xbf16, #tpu.memory_space<vmem>>, vector<32xbf16>,
        %bitcast3A_180 = vector.bitcast %get3A_179 : vector<32xbf16> to vector<16xi32>
        %shift_left3A_181 = arith.constant 16 : i32
        %shift_left3A_182 = vector.broadcast %shift_left3A_181 : i32 to vector<16xi32>
        %shift_left3A_183 = arith.shli %bitcast3A_180, %shift_left3A_182 : vector<16xi32>
        %bitcast3A_184 = vector.bitcast %shift_left3A_183 : vector<16xi32> to vector<16xf32>
        %and3A_185 = vector.broadcast %scan3A : i32 to vector<16xi32>
        %and3A_186 = arith.andi %bitcast3A_180, %and3A_185 : vector<16xi32>
        %bitcast3A_187 = vector.bitcast %and3A_186 : vector<16xi32> to vector<16xf32>
        %mul3A_188 = vector.broadcast %squeeze3A_174 : f32 to vector<16xf32>
        %mul3A_189 = arith.mulf %bitcast3A_184, %mul3A_188 : vector<16xf32>
        %add3A_190 = arith.constant 2 : i32
        %add3A_191 = arith.addi %mul3A_118, %add3A_190 : i32
        %swap3A_192 = arith.index_cast %add3A_191 : i32 to index
        %swap3A_193 = arith.constant 0 : index
        %swap3A_194 = tpu.vector_load %arg13[%swap3A_192, %swap3A_193] {strides = array<i32>} : memref<128x32xf32, #tpu.memory_space<vmem>>, vector<16xf32>,
        tpu.vector_store %arg13[%swap3A_192, %swap3A_193], %mul3A_189 {strides = array<i32>} : memref<128x32xf32, #tpu.memory_space<vmem>>, vector<16xf32>,
        %mul3A_195 = vector.broadcast %squeeze3A_174 : f32 to vector<16xf32>
        %mul3A_196 = arith.mulf %bitcast3A_187, %mul3A_195 : vector<16xf32>
        %add3A_197 = arith.constant 2 : i32
        %add3A_198 = arith.addi %mul3A_118, %add3A_197 : i32
        %swap3A_199 = arith.index_cast %add3A_198 : i32 to index
        %swap3A_200 = arith.constant 16 : index
        %swap3A_201 = tpu.vector_load %arg13[%swap3A_199, %swap3A_200] {strides = array<i32>} : memref<128x32xf32, #tpu.memory_space<vmem>>, vector<16xf32>,
        tpu.vector_store %arg13[%swap3A_199, %swap3A_200], %mul3A_196 {strides = array<i32>} : memref<128x32xf32, #tpu.memory_space<vmem>>, vector<16xf32>,
        %slice3A_202 = vector.extract_strided_slice %get3A_120 {offsets = [3], sizes = [1], strides = [1]} : vector<16xf32> to vector<1xf32>
        %squeeze3A_203 = vector.extract %slice3A_202[0] : f32 from vector<1xf32>
        %add3A_204 = arith.constant 3 : i32
        %add3A_205 = arith.addi %mul3A_118, %add3A_204 : i32
        %get3A_206 = arith.index_cast %add3A_205 : i32 to index
        %get3A_207 = arith.constant 0 : index
        %get3A_208 = tpu.vector_load %arg11[%get3A_206, %get3A_207] {strides = array<i32>} : memref<128x32xbf16, #tpu.memory_space<vmem>>, vector<32xbf16>,
        %bitcast3A_209 = vector.bitcast %get3A_208 : vector<32xbf16> to vector<16xi32>
        %shift_left3A_210 = arith.constant 16 : i32
        %shift_left3A_211 = vector.broadcast %shift_left3A_210 : i32 to vector<16xi32>
        %shift_left3A_212 = arith.shli %bitcast3A_209, %shift_left3A_211 : vector<16xi32>
        %bitcast3A_213 = vector.bitcast %shift_left3A_212 : vector<16xi32> to vector<16xf32>
        %and3A_214 = vector.broadcast %scan3A : i32 to vector<16xi32>
        %and3A_215 = arith.andi %bitcast3A_209, %and3A_214 : vector<16xi32>
        %bitcast3A_216 = vector.bitcast %and3A_215 : vector<16xi32> to vector<16xf32>
        %mul3A_217 = vector.broadcast %squeeze3A_203 : f32 to vector<16xf32>
        %mul3A_218 = arith.mulf %bitcast3A_213, %mul3A_217 : vector<16xf32>
        %add3A_219 = arith.constant 3 : i32
        %add3A_220 = arith.addi %mul3A_118, %add3A_219 : i32
        %swap3A_221 = arith.index_cast %add3A_220 : i32 to index
        %swap3A_222 = arith.constant 0 : index
        %swap3A_223 = tpu.vector_load %arg13[%swap3A_221, %swap3A_222] {strides = array<i32>} : memref<128x32xf32, #tpu.memory_space<vmem>>, vector<16xf32>,
        tpu.vector_store %arg13[%swap3A_221, %swap3A_222], %mul3A_218 {strides = array<i32>} : memref<128x32xf32, #tpu.memory_space<vmem>>, vector<16xf32>,
        %mul3A_224 = vector.broadcast %squeeze3A_203 : f32 to vector<16xf32>
        %mul3A_225 = arith.mulf %bitcast3A_216, %mul3A_224 : vector<16xf32>
        %add3A_226 = arith.constant 3 : i32
        %add3A_227 = arith.addi %mul3A_118, %add3A_226 : i32
        %swap3A_228 = arith.index_cast %add3A_227 : i32 to index
        %swap3A_229 = arith.constant 16 : index
        %swap3A_230 = tpu.vector_load %arg13[%swap3A_228, %swap3A_229] {strides = array<i32>} : memref<128x32xf32, #tpu.memory_space<vmem>>, vector<16xf32>,
        tpu.vector_store %arg13[%swap3A_228, %swap3A_229], %mul3A_225 {strides = array<i32>} : memref<128x32xf32, #tpu.memory_space<vmem>>, vector<16xf32>,
        %slice3A_231 = vector.extract_strided_slice %get3A_120 {offsets = [4], sizes = [1], strides = [1]} : vector<16xf32> to vector<1xf32>
        %squeeze3A_232 = vector.extract %slice3A_231[0] : f32 from vector<1xf32>
        %add3A_233 = arith.constant 4 : i32
        %add3A_234 = arith.addi %mul3A_118, %add3A_233 : i32
        %get3A_235 = arith.index_cast %add3A_234 : i32 to index
        %get3A_236 = arith.constant 0 : index
        %get3A_237 = tpu.vector_load %arg11[%get3A_235, %get3A_236] {strides = array<i32>} : memref<128x32xbf16, #tpu.memory_space<vmem>>, vector<32xbf16>,
        %bitcast3A_238 = vector.bitcast %get3A_237 : vector<32xbf16> to vector<16xi32>
        %shift_left3A_239 = arith.constant 16 : i32
        %shift_left3A_240 = vector.broadcast %shift_left3A_239 : i32 to vector<16xi32>
        %shift_left3A_241 = arith.shli %bitcast3A_238, %shift_left3A_240 : vector<16xi32>
        %bitcast3A_242 = vector.bitcast %shift_left3A_241 : vector<16xi32> to vector<16xf32>
        %and3A_243 = vector.broadcast %scan3A : i32 to vector<16xi32>
        %and3A_244 = arith.andi %bitcast3A_238, %and3A_243 : vector<16xi32>
        %bitcast3A_245 = vector.bitcast %and3A_244 : vector<16xi32> to vector<16xf32>
        %mul3A_246 = vector.broadcast %squeeze3A_232 : f32 to vector<16xf32>
        %mul3A_247 = arith.mulf %bitcast3A_242, %mul3A_246 : vector<16xf32>
        %add3A_248 = arith.constant 4 : i32
        %add3A_249 = arith.addi %mul3A_118, %add3A_248 : i32
        %swap3A_250 = arith.index_cast %add3A_249 : i32 to index
        %swap3A_251 = arith.constant 0 : index
        %swap3A_252 = tpu.vector_load %arg13[%swap3A_250, %swap3A_251] {strides = array<i32>} : memref<128x32xf32, #tpu.memory_space<vmem>>, vector<16xf32>,
        tpu.vector_store %arg13[%swap3A_250, %swap3A_251], %mul3A_247 {strides = array<i32>} : memref<128x32xf32, #tpu.memory_space<vmem>>, vector<16xf32>,
        %mul3A_253 = vector.broadcast %squeeze3A_232 : f32 to vector<16xf32>
        %mul3A_254 = arith.mulf %bitcast3A_245, %mul3A_253 : vector<16xf32>
        %add3A_255 = arith.constant 4 : i32
        %add3A_256 = arith.addi %mul3A_118, %add3A_255 : i32
        %swap3A_257 = arith.index_cast %add3A_256 : i32 to index
        %swap3A_258 = arith.constant 16 : index
        %swap3A_259 = tpu.vector_load %arg13[%swap3A_257, %swap3A_258] {strides = array<i32>} : memref<128x32xf32, #tpu.memory_space<vmem>>, vector<16xf32>,
        tpu.vector_store %arg13[%swap3A_257, %swap3A_258], %mul3A_254 {strides = array<i32>} : memref<128x32xf32, #tpu.memory_space<vmem>>, vector<16xf32>,
        %slice3A_260 = vector.extract_strided_slice %get3A_120 {offsets = [5], sizes = [1], strides = [1]} : vector<16xf32> to vector<1xf32>
        %squeeze3A_261 = vector.extract %slice3A_260[0] : f32 from vector<1xf32>
        %add3A_262 = arith.constant 5 : i32
        %add3A_263 = arith.addi %mul3A_118, %add3A_262 : i32
        %get3A_264 = arith.index_cast %add3A_263 : i32 to index
        %get3A_265 = arith.constant 0 : index
        %get3A_266 = tpu.vector_load %arg11[%get3A_264, %get3A_265] {strides = array<i32>} : memref<128x32xbf16, #tpu.memory_space<vmem>>, vector<32xbf16>,
        %bitcast3A_267 = vector.bitcast %get3A_266 : vector<32xbf16> to vector<16xi32>
        %shift_left3A_268 = arith.constant 16 : i32
        %shift_left3A_269 = vector.broadcast %shift_left3A_268 : i32 to vector<16xi32>
        %shift_left3A_270 = arith.shli %bitcast3A_267, %shift_left3A_269 : vector<16xi32>
        %bitcast3A_271 = vector.bitcast %shift_left3A_270 : vector<16xi32> to vector<16xf32>
        %and3A_272 = vector.broadcast %scan3A : i32 to vector<16xi32>
        %and3A_273 = arith.andi %bitcast3A_267, %and3A_272 : vector<16xi32>
        %bitcast3A_274 = vector.bitcast %and3A_273 : vector<16xi32> to vector<16xf32>
        %mul3A_275 = vector.broadcast %squeeze3A_261 : f32 to vector<16xf32>
        %mul3A_276 = arith.mulf %bitcast3A_271, %mul3A_275 : vector<16xf32>
        %add3A_277 = arith.constant 5 : i32
        %add3A_278 = arith.addi %mul3A_118, %add3A_277 : i32
        %swap3A_279 = arith.index_cast %add3A_278 : i32 to index
        %swap3A_280 = arith.constant 0 : index
        %swap3A_281 = tpu.vector_load %arg13[%swap3A_279, %swap3A_280] {strides = array<i32>} : memref<128x32xf32, #tpu.memory_space<vmem>>, vector<16xf32>,
        tpu.vector_store %arg13[%swap3A_279, %swap3A_280], %mul3A_276 {strides = array<i32>} : memref<128x32xf32, #tpu.memory_space<vmem>>, vector<16xf32>,
        %mul3A_282 = vector.broadcast %squeeze3A_261 : f32 to vector<16xf32>
        %mul3A_283 = arith.mulf %bitcast3A_274, %mul3A_282 : vector<16xf32>
        %add3A_284 = arith.constant 5 : i32
        %add3A_285 = arith.addi %mul3A_118, %add3A_284 : i32
        %swap3A_286 = arith.index_cast %add3A_285 : i32 to index
        %swap3A_287 = arith.constant 16 : index
        %swap3A_288 = tpu.vector_load %arg13[%swap3A_286, %swap3A_287] {strides = array<i32>} : memref<128x32xf32, #tpu.memory_space<vmem>>, vector<16xf32>,
        tpu.vector_store %arg13[%swap3A_286, %swap3A_287], %mul3A_283 {strides = array<i32>} : memref<128x32xf32, #tpu.memory_space<vmem>>, vector<16xf32>,
        %slice3A_289 = vector.extract_strided_slice %get3A_120 {offsets = [6], sizes = [1], strides = [1]} : vector<16xf32> to vector<1xf32>
        %squeeze3A_290 = vector.extract %slice3A_289[0] : f32 from vector<1xf32>
        %add3A_291 = arith.constant 6 : i32
        %add3A_292 = arith.addi %mul3A_118, %add3A_291 : i32
        %get3A_293 = arith.index_cast %add3A_292 : i32 to index
        %get3A_294 = arith.constant 0 : index
        %get3A_295 = tpu.vector_load %arg11[%get3A_293, %get3A_294] {strides = array<i32>} : memref<128x32xbf16, #tpu.memory_space<vmem>>, vector<32xbf16>,
        %bitcast3A_296 = vector.bitcast %get3A_295 : vector<32xbf16> to vector<16xi32>
        %shift_left3A_297 = arith.constant 16 : i32
        %shift_left3A_298 = vector.broadcast %shift_left3A_297 : i32 to vector<16xi32>
        %shift_left3A_299 = arith.shli %bitcast3A_296, %shift_left3A_298 : vector<16xi32>
        %bitcast3A_300 = vector.bitcast %shift_left3A_299 : vector<16xi32> to vector<16xf32>
        %and3A_301 = vector.broadcast %scan3A : i32 to vector<16xi32>
        %and3A_302 = arith.andi %bitcast3A_296, %and3A_301 : vector<16xi32>
        %bitcast3A_303 = vector.bitcast %and3A_302 : vector<16xi32> to vector<16xf32>
        %mul3A_304 = vector.broadcast %squeeze3A_290 : f32 to vector<16xf32>
        %mul3A_305 = arith.mulf %bitcast3A_300, %mul3A_304 : vector<16xf32>
        %add3A_306 = arith.constant 6 : i32
        %add3A_307 = arith.addi %mul3A_118, %add3A_306 : i32
        %swap3A_308 = arith.index_cast %add3A_307 : i32 to index
        %swap3A_309 = arith.constant 0 : index
        %swap3A_310 = tpu.vector_load %arg13[%swap3A_308, %swap3A_309] {strides = array<i32>} : memref<128x32xf32, #tpu.memory_space<vmem>>, vector<16xf32>,
        tpu.vector_store %arg13[%swap3A_308, %swap3A_309], %mul3A_305 {strides = array<i32>} : memref<128x32xf32, #tpu.memory_space<vmem>>, vector<16xf32>,
        %mul3A_311 = vector.broadcast %squeeze3A_290 : f32 to vector<16xf32>
        %mul3A_312 = arith.mulf %bitcast3A_303, %mul3A_311 : vector<16xf32>
        %add3A_313 = arith.constant 6 : i32
        %add3A_314 = arith.addi %mul3A_118, %add3A_313 : i32
        %swap3A_315 = arith.index_cast %add3A_314 : i32 to index
        %swap3A_316 = arith.constant 16 : index
        %swap3A_317 = tpu.vector_load %arg13[%swap3A_315, %swap3A_316] {strides = array<i32>} : memref<128x32xf32, #tpu.memory_space<vmem>>, vector<16xf32>,
        tpu.vector_store %arg13[%swap3A_315, %swap3A_316], %mul3A_312 {strides = array<i32>} : memref<128x32xf32, #tpu.memory_space<vmem>>, vector<16xf32>,
        %slice3A_318 = vector.extract_strided_slice %get3A_120 {offsets = [7], sizes = [1], strides = [1]} : vector<16xf32> to vector<1xf32>
        %squeeze3A_319 = vector.extract %slice3A_318[0] : f32 from vector<1xf32>
        %add3A_320 = arith.constant 7 : i32
        %add3A_321 = arith.addi %mul3A_118, %add3A_320 : i32
        %get3A_322 = arith.index_cast %add3A_321 : i32 to index
        %get3A_323 = arith.constant 0 : index
        %get3A_324 = tpu.vector_load %arg11[%get3A_322, %get3A_323] {strides = array<i32>} : memref<128x32xbf16, #tpu.memory_space<vmem>>, vector<32xbf16>,
        %bitcast3A_325 = vector.bitcast %get3A_324 : vector<32xbf16> to vector<16xi32>
        %shift_left3A_326 = arith.constant 16 : i32
        %shift_left3A_327 = vector.broadcast %shift_left3A_326 : i32 to vector<16xi32>
        %shift_left3A_328 = arith.shli %bitcast3A_325, %shift_left3A_327 : vector<16xi32>
        %bitcast3A_329 = vector.bitcast %shift_left3A_328 : vector<16xi32> to vector<16xf32>
        %and3A_330 = vector.broadcast %scan3A : i32 to vector<16xi32>
        %and3A_331 = arith.andi %bitcast3A_325, %and3A_330 : vector<16xi32>
        %bitcast3A_332 = vector.bitcast %and3A_331 : vector<16xi32> to vector<16xf32>
        %mul3A_333 = vector.broadcast %squeeze3A_319 : f32 to vector<16xf32>
        %mul3A_334 = arith.mulf %bitcast3A_329, %mul3A_333 : vector<16xf32>
        %add3A_335 = arith.constant 7 : i32
        %add3A_336 = arith.addi %mul3A_118, %add3A_335 : i32
        %swap3A_337 = arith.index_cast %add3A_336 : i32 to index
        %swap3A_338 = arith.constant 0 : index
        %swap3A_339 = tpu.vector_load %arg13[%swap3A_337, %swap3A_338] {strides = array<i32>} : memref<128x32xf32, #tpu.memory_space<vmem>>, vector<16xf32>,
        tpu.vector_store %arg13[%swap3A_337, %swap3A_338], %mul3A_334 {strides = array<i32>} : memref<128x32xf32, #tpu.memory_space<vmem>>, vector<16xf32>,
        %mul3A_340 = vector.broadcast %squeeze3A_319 : f32 to vector<16xf32>
        %mul3A_341 = arith.mulf %bitcast3A_332, %mul3A_340 : vector<16xf32>
        %add3A_342 = arith.constant 7 : i32
        %add3A_343 = arith.addi %mul3A_118, %add3A_342 : i32
        %swap3A_344 = arith.index_cast %add3A_343 : i32 to index
        %swap3A_345 = arith.constant 16 : index
        %swap3A_346 = tpu.vector_load %arg13[%swap3A_344, %swap3A_345] {strides = array<i32>} : memref<128x32xf32, #tpu.memory_space<vmem>>, vector<16xf32>,
        tpu.vector_store %arg13[%swap3A_344, %swap3A_345], %mul3A_341 {strides = array<i32>} : memref<128x32xf32, #tpu.memory_space<vmem>>, vector<16xf32>,
        %slice3A_347 = vector.extract_strided_slice %get3A_120 {offsets = [8], sizes = [1], strides = [1]} : vector<16xf32> to vector<1xf32>
        %squeeze3A_348 = vector.extract %slice3A_347[0] : f32 from vector<1xf32>
        %add3A_349 = arith.constant 8 : i32
        %add3A_350 = arith.addi %mul3A_118, %add3A_349 : i32
        %get3A_351 = arith.index_cast %add3A_350 : i32 to index
        %get3A_352 = arith.constant 0 : index
        %get3A_353 = tpu.vector_load %arg11[%get3A_351, %get3A_352] {strides = array<i32>} : memref<128x32xbf16, #tpu.memory_space<vmem>>, vector<32xbf16>,
        %bitcast3A_354 = vector.bitcast %get3A_353 : vector<32xbf16> to vector<16xi32>
        %shift_left3A_355 = arith.constant 16 : i32
        %shift_left3A_356 = vector.broadcast %shift_left3A_355 : i32 to vector<16xi32>
        %shift_left3A_357 = arith.shli %bitcast3A_354, %shift_left3A_356 : vector<16xi32>
        %bitcast3A_358 = vector.bitcast %shift_left3A_357 : vector<16xi32> to vector<16xf32>
        %and3A_359 = vector.broadcast %scan3A : i32 to vector<16xi32>
        %and3A_360 = arith.andi %bitcast3A_354, %and3A_359 : vector<16xi32>
        %bitcast3A_361 = vector.bitcast %and3A_360 : vector<16xi32> to vector<16xf32>
        %mul3A_362 = vector.broadcast %squeeze3A_348 : f32 to vector<16xf32>
        %mul3A_363 = arith.mulf %bitcast3A_358, %mul3A_362 : vector<16xf32>
        %add3A_364 = arith.constant 8 : i32
        %add3A_365 = arith.addi %mul3A_118, %add3A_364 : i32
        %swap3A_366 = arith.index_cast %add3A_365 : i32 to index
        %swap3A_367 = arith.constant 0 : index
        %swap3A_368 = tpu.vector_load %arg13[%swap3A_366, %swap3A_367] {strides = array<i32>} : memref<128x32xf32, #tpu.memory_space<vmem>>, vector<16xf32>,
        tpu.vector_store %arg13[%swap3A_366, %swap3A_367], %mul3A_363 {strides = array<i32>} : memref<128x32xf32, #tpu.memory_space<vmem>>, vector<16xf32>,
        %mul3A_369 = vector.broadcast %squeeze3A_348 : f32 to vector<16xf32>
        %mul3A_370 = arith.mulf %bitcast3A_361, %mul3A_369 : vector<16xf32>
        %add3A_371 = arith.constant 8 : i32
        %add3A_372 = arith.addi %mul3A_118, %add3A_371 : i32
        %swap3A_373 = arith.index_cast %add3A_372 : i32 to index
        %swap3A_374 = arith.constant 16 : index
        %swap3A_375 = tpu.vector_load %arg13[%swap3A_373, %swap3A_374] {strides = array<i32>} : memref<128x32xf32, #tpu.memory_space<vmem>>, vector<16xf32>,
        tpu.vector_store %arg13[%swap3A_373, %swap3A_374], %mul3A_370 {strides = array<i32>} : memref<128x32xf32, #tpu.memory_space<vmem>>, vector<16xf32>,
        %slice3A_376 = vector.extract_strided_slice %get3A_120 {offsets = [9], sizes = [1], strides = [1]} : vector<16xf32> to vector<1xf32>
        %squeeze3A_377 = vector.extract %slice3A_376[0] : f32 from vector<1xf32>
        %add3A_378 = arith.constant 9 : i32
        %add3A_379 = arith.addi %mul3A_118, %add3A_378 : i32
        %get3A_380 = arith.index_cast %add3A_379 : i32 to index
        %get3A_381 = arith.constant 0 : index
        %get3A_382 = tpu.vector_load %arg11[%get3A_380, %get3A_381] {strides = array<i32>} : memref<128x32xbf16, #tpu.memory_space<vmem>>, vector<32xbf16>,
        %bitcast3A_383 = vector.bitcast %get3A_382 : vector<32xbf16> to vector<16xi32>
        %shift_left3A_384 = arith.constant 16 : i32
        %shift_left3A_385 = vector.broadcast %shift_left3A_384 : i32 to vector<16xi32>
        %shift_left3A_386 = arith.shli %bitcast3A_383, %shift_left3A_385 : vector<16xi32>
        %bitcast3A_387 = vector.bitcast %shift_left3A_386 : vector<16xi32> to vector<16xf32>
        %and3A_388 = vector.broadcast %scan3A : i32 to vector<16xi32>
        %and3A_389 = arith.andi %bitcast3A_383, %and3A_388 : vector<16xi32>
        %bitcast3A_390 = vector.bitcast %and3A_389 : vector<16xi32> to vector<16xf32>
        %mul3A_391 = vector.broadcast %squeeze3A_377 : f32 to vector<16xf32>
        %mul3A_392 = arith.mulf %bitcast3A_387, %mul3A_391 : vector<16xf32>
        %add3A_393 = arith.constant 9 : i32
        %add3A_394 = arith.addi %mul3A_118, %add3A_393 : i32
        %swap3A_395 = arith.index_cast %add3A_394 : i32 to index
        %swap3A_396 = arith.constant 0 : index
        %swap3A_397 = tpu.vector_load %arg13[%swap3A_395, %swap3A_396] {strides = array<i32>} : memref<128x32xf32, #tpu.memory_space<vmem>>, vector<16xf32>,
        tpu.vector_store %arg13[%swap3A_395, %swap3A_396], %mul3A_392 {strides = array<i32>} : memref<128x32xf32, #tpu.memory_space<vmem>>, vector<16xf32>,
        %mul3A_398 = vector.broadcast %squeeze3A_377 : f32 to vector<16xf32>
        %mul3A_399 = arith.mulf %bitcast3A_390, %mul3A_398 : vector<16xf32>
        %add3A_400 = arith.constant 9 : i32
        %add3A_401 = arith.addi %mul3A_118, %add3A_400 : i32
        %swap3A_402 = arith.index_cast %add3A_401 : i32 to index
        %swap3A_403 = arith.constant 16 : index
        %swap3A_404 = tpu.vector_load %arg13[%swap3A_402, %swap3A_403] {strides = array<i32>} : memref<128x32xf32, #tpu.memory_space<vmem>>, vector<16xf32>,
        tpu.vector_store %arg13[%swap3A_402, %swap3A_403], %mul3A_399 {strides = array<i32>} : memref<128x32xf32, #tpu.memory_space<vmem>>, vector<16xf32>,
        %slice3A_405 = vector.extract_strided_slice %get3A_120 {offsets = [10], sizes = [1], strides = [1]} : vector<16xf32> to vector<1xf32>
        %squeeze3A_406 = vector.extract %slice3A_405[0] : f32 from vector<1xf32>
        %add3A_407 = arith.constant 10 : i32
        %add3A_408 = arith.addi %mul3A_118, %add3A_407 : i32
        %get3A_409 = arith.index_cast %add3A_408 : i32 to index
        %get3A_410 = arith.constant 0 : index
        %get3A_411 = tpu.vector_load %arg11[%get3A_409, %get3A_410] {strides = array<i32>} : memref<128x32xbf16, #tpu.memory_space<vmem>>, vector<32xbf16>,
        %bitcast3A_412 = vector.bitcast %get3A_411 : vector<32xbf16> to vector<16xi32>
        %shift_left3A_413 = arith.constant 16 : i32
        %shift_left3A_414 = vector.broadcast %shift_left3A_413 : i32 to vector<16xi32>
        %shift_left3A_415 = arith.shli %bitcast3A_412, %shift_left3A_414 : vector<16xi32>
        %bitcast3A_416 = vector.bitcast %shift_left3A_415 : vector<16xi32> to vector<16xf32>
        %and3A_417 = vector.broadcast %scan3A : i32 to vector<16xi32>
        %and3A_418 = arith.andi %bitcast3A_412, %and3A_417 : vector<16xi32>
        %bitcast3A_419 = vector.bitcast %and3A_418 : vector<16xi32> to vector<16xf32>
        %mul3A_420 = vector.broadcast %squeeze3A_406 : f32 to vector<16xf32>
        %mul3A_421 = arith.mulf %bitcast3A_416, %mul3A_420 : vector<16xf32>
        %add3A_422 = arith.constant 10 : i32
        %add3A_423 = arith.addi %mul3A_118, %add3A_422 : i32
        %swap3A_424 = arith.index_cast %add3A_423 : i32 to index
        %swap3A_425 = arith.constant 0 : index
        %swap3A_426 = tpu.vector_load %arg13[%swap3A_424, %swap3A_425] {strides = array<i32>} : memref<128x32xf32, #tpu.memory_space<vmem>>, vector<16xf32>,
        tpu.vector_store %arg13[%swap3A_424, %swap3A_425], %mul3A_421 {strides = array<i32>} : memref<128x32xf32, #tpu.memory_space<vmem>>, vector<16xf32>,
        %mul3A_427 = vector.broadcast %squeeze3A_406 : f32 to vector<16xf32>
        %mul3A_428 = arith.mulf %bitcast3A_419, %mul3A_427 : vector<16xf32>
        %add3A_429 = arith.constant 10 : i32
        %add3A_430 = arith.addi %mul3A_118, %add3A_429 : i32
        %swap3A_431 = arith.index_cast %add3A_430 : i32 to index
        %swap3A_432 = arith.constant 16 : index
        %swap3A_433 = tpu.vector_load %arg13[%swap3A_431, %swap3A_432] {strides = array<i32>} : memref<128x32xf32, #tpu.memory_space<vmem>>, vector<16xf32>,
        tpu.vector_store %arg13[%swap3A_431, %swap3A_432], %mul3A_428 {strides = array<i32>} : memref<128x32xf32, #tpu.memory_space<vmem>>, vector<16xf32>,
        %slice3A_434 = vector.extract_strided_slice %get3A_120 {offsets = [11], sizes = [1], strides = [1]} : vector<16xf32> to vector<1xf32>
        %squeeze3A_435 = vector.extract %slice3A_434[0] : f32 from vector<1xf32>
        %add3A_436 = arith.constant 11 : i32
        %add3A_437 = arith.addi %mul3A_118, %add3A_436 : i32
        %get3A_438 = arith.index_cast %add3A_437 : i32 to index
        %get3A_439 = arith.constant 0 : index
        %get3A_440 = tpu.vector_load %arg11[%get3A_438, %get3A_439] {strides = array<i32>} : memref<128x32xbf16, #tpu.memory_space<vmem>>, vector<32xbf16>,
        %bitcast3A_441 = vector.bitcast %get3A_440 : vector<32xbf16> to vector<16xi32>
        %shift_left3A_442 = arith.constant 16 : i32
        %shift_left3A_443 = vector.broadcast %shift_left3A_442 : i32 to vector<16xi32>
        %shift_left3A_444 = arith.shli %bitcast3A_441, %shift_left3A_443 : vector<16xi32>
        %bitcast3A_445 = vector.bitcast %shift_left3A_444 : vector<16xi32> to vector<16xf32>
        %and3A_446 = vector.broadcast %scan3A : i32 to vector<16xi32>
        %and3A_447 = arith.andi %bitcast3A_441, %and3A_446 : vector<16xi32>
        %bitcast3A_448 = vector.bitcast %and3A_447 : vector<16xi32> to vector<16xf32>
        %mul3A_449 = vector.broadcast %squeeze3A_435 : f32 to vector<16xf32>
        %mul3A_450 = arith.mulf %bitcast3A_445, %mul3A_449 : vector<16xf32>
        %add3A_451 = arith.constant 11 : i32
        %add3A_452 = arith.addi %mul3A_118, %add3A_451 : i32
        %swap3A_453 = arith.index_cast %add3A_452 : i32 to index
        %swap3A_454 = arith.constant 0 : index
        %swap3A_455 = tpu.vector_load %arg13[%swap3A_453, %swap3A_454] {strides = array<i32>} : memref<128x32xf32, #tpu.memory_space<vmem>>, vector<16xf32>,
        tpu.vector_store %arg13[%swap3A_453, %swap3A_454], %mul3A_450 {strides = array<i32>} : memref<128x32xf32, #tpu.memory_space<vmem>>, vector<16xf32>,
        %mul3A_456 = vector.broadcast %squeeze3A_435 : f32 to vector<16xf32>
        %mul3A_457 = arith.mulf %bitcast3A_448, %mul3A_456 : vector<16xf32>
        %add3A_458 = arith.constant 11 : i32
        %add3A_459 = arith.addi %mul3A_118, %add3A_458 : i32
        %swap3A_460 = arith.index_cast %add3A_459 : i32 to index
        %swap3A_461 = arith.constant 16 : index
        %swap3A_462 = tpu.vector_load %arg13[%swap3A_460, %swap3A_461] {strides = array<i32>} : memref<128x32xf32, #tpu.memory_space<vmem>>, vector<16xf32>,
        tpu.vector_store %arg13[%swap3A_460, %swap3A_461], %mul3A_457 {strides = array<i32>} : memref<128x32xf32, #tpu.memory_space<vmem>>, vector<16xf32>,
        %slice3A_463 = vector.extract_strided_slice %get3A_120 {offsets = [12], sizes = [1], strides = [1]} : vector<16xf32> to vector<1xf32>
        %squeeze3A_464 = vector.extract %slice3A_463[0] : f32 from vector<1xf32>
        %add3A_465 = arith.constant 12 : i32
        %add3A_466 = arith.addi %mul3A_118, %add3A_465 : i32
        %get3A_467 = arith.index_cast %add3A_466 : i32 to index
        %get3A_468 = arith.constant 0 : index
        %get3A_469 = tpu.vector_load %arg11[%get3A_467, %get3A_468] {strides = array<i32>} : memref<128x32xbf16, #tpu.memory_space<vmem>>, vector<32xbf16>,
        %bitcast3A_470 = vector.bitcast %get3A_469 : vector<32xbf16> to vector<16xi32>
        %shift_left3A_471 = arith.constant 16 : i32
        %shift_left3A_472 = vector.broadcast %shift_left3A_471 : i32 to vector<16xi32>
        %shift_left3A_473 = arith.shli %bitcast3A_470, %shift_left3A_472 : vector<16xi32>
        %bitcast3A_474 = vector.bitcast %shift_left3A_473 : vector<16xi32> to vector<16xf32>
        %and3A_475 = vector.broadcast %scan3A : i32 to vector<16xi32>
        %and3A_476 = arith.andi %bitcast3A_470, %and3A_475 : vector<16xi32>
        %bitcast3A_477 = vector.bitcast %and3A_476 : vector<16xi32> to vector<16xf32>
        %mul3A_478 = vector.broadcast %squeeze3A_464 : f32 to vector<16xf32>
        %mul3A_479 = arith.mulf %bitcast3A_474, %mul3A_478 : vector<16xf32>
        %add3A_480 = arith.constant 12 : i32
        %add3A_481 = arith.addi %mul3A_118, %add3A_480 : i32
        %swap3A_482 = arith.index_cast %add3A_481 : i32 to index
        %swap3A_483 = arith.constant 0 : index
        %swap3A_484 = tpu.vector_load %arg13[%swap3A_482, %swap3A_483] {strides = array<i32>} : memref<128x32xf32, #tpu.memory_space<vmem>>, vector<16xf32>,
        tpu.vector_store %arg13[%swap3A_482, %swap3A_483], %mul3A_479 {strides = array<i32>} : memref<128x32xf32, #tpu.memory_space<vmem>>, vector<16xf32>,
        %mul3A_485 = vector.broadcast %squeeze3A_464 : f32 to vector<16xf32>
        %mul3A_486 = arith.mulf %bitcast3A_477, %mul3A_485 : vector<16xf32>
        %add3A_487 = arith.constant 12 : i32
        %add3A_488 = arith.addi %mul3A_118, %add3A_487 : i32
        %swap3A_489 = arith.index_cast %add3A_488 : i32 to index
        %swap3A_490 = arith.constant 16 : index
        %swap3A_491 = tpu.vector_load %arg13[%swap3A_489, %swap3A_490] {strides = array<i32>} : memref<128x32xf32, #tpu.memory_space<vmem>>, vector<16xf32>,
        tpu.vector_store %arg13[%swap3A_489, %swap3A_490], %mul3A_486 {strides = array<i32>} : memref<128x32xf32, #tpu.memory_space<vmem>>, vector<16xf32>,
        %slice3A_492 = vector.extract_strided_slice %get3A_120 {offsets = [13], sizes = [1], strides = [1]} : vector<16xf32> to vector<1xf32>
        %squeeze3A_493 = vector.extract %slice3A_492[0] : f32 from vector<1xf32>
        %add3A_494 = arith.constant 13 : i32
        %add3A_495 = arith.addi %mul3A_118, %add3A_494 : i32
        %get3A_496 = arith.index_cast %add3A_495 : i32 to index
        %get3A_497 = arith.constant 0 : index
        %get3A_498 = tpu.vector_load %arg11[%get3A_496, %get3A_497] {strides = array<i32>} : memref<128x32xbf16, #tpu.memory_space<vmem>>, vector<32xbf16>,
        %bitcast3A_499 = vector.bitcast %get3A_498 : vector<32xbf16> to vector<16xi32>
        %shift_left3A_500 = arith.constant 16 : i32
        %shift_left3A_501 = vector.broadcast %shift_left3A_500 : i32 to vector<16xi32>
        %shift_left3A_502 = arith.shli %bitcast3A_499, %shift_left3A_501 : vector<16xi32>
        %bitcast3A_503 = vector.bitcast %shift_left3A_502 : vector<16xi32> to vector<16xf32>
        %and3A_504 = vector.broadcast %scan3A : i32 to vector<16xi32>
        %and3A_505 = arith.andi %bitcast3A_499, %and3A_504 : vector<16xi32>
        %bitcast3A_506 = vector.bitcast %and3A_505 : vector<16xi32> to vector<16xf32>
        %mul3A_507 = vector.broadcast %squeeze3A_493 : f32 to vector<16xf32>
        %mul3A_508 = arith.mulf %bitcast3A_503, %mul3A_507 : vector<16xf32>
        %add3A_509 = arith.constant 13 : i32
        %add3A_510 = arith.addi %mul3A_118, %add3A_509 : i32
        %swap3A_511 = arith.index_cast %add3A_510 : i32 to index
        %swap3A_512 = arith.constant 0 : index
        %swap3A_513 = tpu.vector_load %arg13[%swap3A_511, %swap3A_512] {strides = array<i32>} : memref<128x32xf32, #tpu.memory_space<vmem>>, vector<16xf32>,
        tpu.vector_store %arg13[%swap3A_511, %swap3A_512], %mul3A_508 {strides = array<i32>} : memref<128x32xf32, #tpu.memory_space<vmem>>, vector<16xf32>,
        %mul3A_514 = vector.broadcast %squeeze3A_493 : f32 to vector<16xf32>
        %mul3A_515 = arith.mulf %bitcast3A_506, %mul3A_514 : vector<16xf32>
        %add3A_516 = arith.constant 13 : i32
        %add3A_517 = arith.addi %mul3A_118, %add3A_516 : i32
        %swap3A_518 = arith.index_cast %add3A_517 : i32 to index
        %swap3A_519 = arith.constant 16 : index
        %swap3A_520 = tpu.vector_load %arg13[%swap3A_518, %swap3A_519] {strides = array<i32>} : memref<128x32xf32, #tpu.memory_space<vmem>>, vector<16xf32>,
        tpu.vector_store %arg13[%swap3A_518, %swap3A_519], %mul3A_515 {strides = array<i32>} : memref<128x32xf32, #tpu.memory_space<vmem>>, vector<16xf32>,
        %slice3A_521 = vector.extract_strided_slice %get3A_120 {offsets = [14], sizes = [1], strides = [1]} : vector<16xf32> to vector<1xf32>
        %squeeze3A_522 = vector.extract %slice3A_521[0] : f32 from vector<1xf32>
        %add3A_523 = arith.constant 14 : i32
        %add3A_524 = arith.addi %mul3A_118, %add3A_523 : i32
        %get3A_525 = arith.index_cast %add3A_524 : i32 to index
        %get3A_526 = arith.constant 0 : index
        %get3A_527 = tpu.vector_load %arg11[%get3A_525, %get3A_526] {strides = array<i32>} : memref<128x32xbf16, #tpu.memory_space<vmem>>, vector<32xbf16>,
        %bitcast3A_528 = vector.bitcast %get3A_527 : vector<32xbf16> to vector<16xi32>
        %shift_left3A_529 = arith.constant 16 : i32
        %shift_left3A_530 = vector.broadcast %shift_left3A_529 : i32 to vector<16xi32>
        %shift_left3A_531 = arith.shli %bitcast3A_528, %shift_left3A_530 : vector<16xi32>
        %bitcast3A_532 = vector.bitcast %shift_left3A_531 : vector<16xi32> to vector<16xf32>
        %and3A_533 = vector.broadcast %scan3A : i32 to vector<16xi32>
        %and3A_534 = arith.andi %bitcast3A_528, %and3A_533 : vector<16xi32>
        %bitcast3A_535 = vector.bitcast %and3A_534 : vector<16xi32> to vector<16xf32>
        %mul3A_536 = vector.broadcast %squeeze3A_522 : f32 to vector<16xf32>
        %mul3A_537 = arith.mulf %bitcast3A_532, %mul3A_536 : vector<16xf32>
        %add3A_538 = arith.constant 14 : i32
        %add3A_539 = arith.addi %mul3A_118, %add3A_538 : i32
        %swap3A_540 = arith.index_cast %add3A_539 : i32 to index
        %swap3A_541 = arith.constant 0 : index
        %swap3A_542 = tpu.vector_load %arg13[%swap3A_540, %swap3A_541] {strides = array<i32>} : memref<128x32xf32, #tpu.memory_space<vmem>>, vector<16xf32>,
        tpu.vector_store %arg13[%swap3A_540, %swap3A_541], %mul3A_537 {strides = array<i32>} : memref<128x32xf32, #tpu.memory_space<vmem>>, vector<16xf32>,
        %mul3A_543 = vector.broadcast %squeeze3A_522 : f32 to vector<16xf32>
        %mul3A_544 = arith.mulf %bitcast3A_535, %mul3A_543 : vector<16xf32>
        %add3A_545 = arith.constant 14 : i32
        %add3A_546 = arith.addi %mul3A_118, %add3A_545 : i32
        %swap3A_547 = arith.index_cast %add3A_546 : i32 to index
        %swap3A_548 = arith.constant 16 : index
        %swap3A_549 = tpu.vector_load %arg13[%swap3A_547, %swap3A_548] {strides = array<i32>} : memref<128x32xf32, #tpu.memory_space<vmem>>, vector<16xf32>,
        tpu.vector_store %arg13[%swap3A_547, %swap3A_548], %mul3A_544 {strides = array<i32>} : memref<128x32xf32, #tpu.memory_space<vmem>>, vector<16xf32>,
        %slice3A_550 = vector.extract_strided_slice %get3A_120 {offsets = [15], sizes = [1], strides = [1]} : vector<16xf32> to vector<1xf32>
        %squeeze3A_551 = vector.extract %slice3A_550[0] : f32 from vector<1xf32>
        %add3A_552 = arith.constant 15 : i32
        %add3A_553 = arith.addi %mul3A_118, %add3A_552 : i32
        %get3A_554 = arith.index_cast %add3A_553 : i32 to index
        %get3A_555 = arith.constant 0 : index
        %get3A_556 = tpu.vector_load %arg11[%get3A_554, %get3A_555] {strides = array<i32>} : memref<128x32xbf16, #tpu.memory_space<vmem>>, vector<32xbf16>,
        %bitcast3A_557 = vector.bitcast %get3A_556 : vector<32xbf16> to vector<16xi32>
        %shift_left3A_558 = arith.constant 16 : i32
        %shift_left3A_559 = vector.broadcast %shift_left3A_558 : i32 to vector<16xi32>
        %shift_left3A_560 = arith.shli %bitcast3A_557, %shift_left3A_559 : vector<16xi32>
        %bitcast3A_561 = vector.bitcast %shift_left3A_560 : vector<16xi32> to vector<16xf32>
        %and3A_562 = vector.broadcast %scan3A : i32 to vector<16xi32>
        %and3A_563 = arith.andi %bitcast3A_557, %and3A_562 : vector<16xi32>
        %bitcast3A_564 = vector.bitcast %and3A_563 : vector<16xi32> to vector<16xf32>
        %mul3A_565 = vector.broadcast %squeeze3A_551 : f32 to vector<16xf32>
        %mul3A_566 = arith.mulf %bitcast3A_561, %mul3A_565 : vector<16xf32>
        %add3A_567 = arith.constant 15 : i32
        %add3A_568 = arith.addi %mul3A_118, %add3A_567 : i32
        %swap3A_569 = arith.index_cast %add3A_568 : i32 to index
        %swap3A_570 = arith.constant 0 : index
        %swap3A_571 = tpu.vector_load %arg13[%swap3A_569, %swap3A_570] {strides = array<i32>} : memref<128x32xf32, #tpu.memory_space<vmem>>, vector<16xf32>,
        tpu.vector_store %arg13[%swap3A_569, %swap3A_570], %mul3A_566 {strides = array<i32>} : memref<128x32xf32, #tpu.memory_space<vmem>>, vector<16xf32>,
        %mul3A_572 = vector.broadcast %squeeze3A_551 : f32 to vector<16xf32>
        %mul3A_573 = arith.mulf %bitcast3A_564, %mul3A_572 : vector<16xf32>
        %add3A_574 = arith.constant 15 : i32
        %add3A_575 = arith.addi %mul3A_118, %add3A_574 : i32
        %swap3A_576 = arith.index_cast %add3A_575 : i32 to index
        %swap3A_577 = arith.constant 16 : index
        %swap3A_578 = tpu.vector_load %arg13[%swap3A_576, %swap3A_577] {strides = array<i32>} : memref<128x32xf32, #tpu.memory_space<vmem>>, vector<16xf32>,
        tpu.vector_store %arg13[%swap3A_576, %swap3A_577], %mul3A_573 {strides = array<i32>} : memref<128x32xf32, #tpu.memory_space<vmem>>, vector<16xf32>,
        %scan3A_579 = arith.constant 0 : i32
        scf.yield %scan3A_579 : i32
      }
      %scan3A_107 = arith.constant 8 : i32
      %dma_start3A_108 = arith.constant 0 : i32
      %dma_start3A_109 = tpu.memref_slice %arg8[%add3A_51, %dma_start3A_108] : memref<80x128xi32, #tpu.memory_space<vmem>> -> memref<1x128xi32, #tpu.memory_space<vmem>>
      %dma_start3A_110 = tpu.memref_squeeze %dma_start3A_109 : memref<1x128xi32, #tpu.memory_space<vmem>> -> memref<128xi32, #tpu.memory_space<vmem>>
      %dma_start3A_111 = arith.constant 0 : i32
      %dma_start3A_112 = arith.constant 0 : i32
      %dma_start3A_113 = tpu.memref_slice %arg14[%dma_start3A_111, %dma_start3A_112] : memref<10240x32xf32, #tpu.memory_space<vmem_shared>> -> memref<10240x32xf32, #tpu.memory_space<vmem_shared>>
      tpu.enqueue_indirect_dma source(%arg13 : memref<128x32xf32, #tpu.memory_space<vmem>>) target(%dma_start3A_113 : memref<10240x32xf32, #tpu.memory_space<vmem_shared>>) offsets(%dma_start3A_110 : memref<128xi32, #tpu.memory_space<vmem>>) semaphore(%arg18 : memref<!tpu.dma_semaphore, #tpu.memory_space<semaphore_mem>>) {add = true}
      %scan3A_114 = arith.constant 0 : i32
      scf.yield %scan3A_114 : i32
    }
    %scan3A_21 = arith.constant 40 : i32
    %dma_wait3A = arith.constant 0 : i32
    %dma_wait3A_22 = arith.constant 0 : i32
    %dma_wait3A_23 = tpu.memref_slice %arg2[%dma_wait3A, %dma_wait3A_22] : memref<10000x32xbf16, #tpu.memory_space<hbm>> -> memref<128x32xbf16, #tpu.memory_space<hbm>>
    %dma_wait3A_24 = arith.constant 0 : i32
    %dma_wait3A_25 = arith.constant 0 : i32
    %dma_wait3A_26 = tpu.memref_slice %arg2[%dma_wait3A_24, %dma_wait3A_25] : memref<10000x32xbf16, #tpu.memory_space<hbm>> -> memref<128x32xbf16, #tpu.memory_space<hbm>>
    tpu.wait_dma2 semaphore(%arg15 : memref<!tpu.dma_semaphore, #tpu.memory_space<semaphore_mem>>) src(%dma_wait3A_26 : memref<128x32xbf16, #tpu.memory_space<hbm>>) dst(%arg10 : memref<128x32xbf16, #tpu.memory_space<vmem>>)
    %dma_wait3A_27 = arith.constant 0 : i32
    %dma_wait3A_28 = arith.constant 0 : i32
    %dma_wait3A_29 = tpu.memref_slice %arg14[%dma_wait3A_27, %dma_wait3A_28] : memref<10240x32xf32, #tpu.memory_space<vmem_shared>> -> memref<128x32xf32, #tpu.memory_space<vmem_shared>>
    %dma_wait3A_30 = arith.constant 0 : i32
    %dma_wait3A_31 = arith.constant 0 : i32
    %dma_wait3A_32 = tpu.memref_slice %arg14[%dma_wait3A_30, %dma_wait3A_31] : memref<10240x32xf32, #tpu.memory_space<vmem_shared>> -> memref<128x32xf32, #tpu.memory_space<vmem_shared>>
    tpu.wait_dma2 semaphore(%arg17 : memref<!tpu.dma_semaphore, #tpu.memory_space<semaphore_mem>>) src(%arg12 : memref<128x32xf32, #tpu.memory_space<vmem>>) dst(%dma_wait3A_32 : memref<128x32xf32, #tpu.memory_space<vmem_shared>>)
    %dma_wait3A_33 = arith.constant 0 : i32
    %dma_wait3A_34 = arith.constant 0 : i32
    %dma_wait3A_35 = tpu.memref_slice %arg14[%dma_wait3A_33, %dma_wait3A_34] : memref<10240x32xf32, #tpu.memory_space<vmem_shared>> -> memref<128x32xf32, #tpu.memory_space<vmem_shared>>
    %dma_wait3A_36 = arith.constant 0 : i32
    %dma_wait3A_37 = arith.constant 0 : i32
    %dma_wait3A_38 = tpu.memref_slice %arg14[%dma_wait3A_36, %dma_wait3A_37] : memref<10240x32xf32, #tpu.memory_space<vmem_shared>> -> memref<128x32xf32, #tpu.memory_space<vmem_shared>>
    tpu.wait_dma2 semaphore(%arg18 : memref<!tpu.dma_semaphore, #tpu.memory_space<semaphore_mem>>) src(%arg13 : memref<128x32xf32, #tpu.memory_space<vmem>>) dst(%dma_wait3A_38 : memref<128x32xf32, #tpu.memory_space<vmem_shared>>)
    %barrier3A_39 = arith.constant 0 : index
    tpu.barrier barrier_id(%barrier3A_39)
    %mul3A_40 = arith.constant 640 : i32
    %mul3A_41 = arith.muli %arg1, %mul3A_40 : i32
    %mul3A_42 = arith.constant 640 : i32
    %mul3A_43 = arith.muli %arg1, %mul3A_42 : i32
    "tpu.region"() ({
      %run_scoped3A = tpu.sem_alloc : memref<!tpu.dma_semaphore, #tpu.memory_space<semaphore_mem>>
      %dma_start3A_44 = arith.constant 0 : i32
      %dma_start3A_45 = tpu.memref_slice %arg6[%arg0, %mul3A_43, %dma_start3A_44] : memref<2x10240x32xf32, #tpu.memory_space<hbm>> -> memref<1x640x32xf32, #tpu.memory_space<hbm>>
      %dma_start3A_46 = tpu.memref_squeeze %dma_start3A_45 : memref<1x640x32xf32, #tpu.memory_space<hbm>> -> memref<640x32xf32, #tpu.memory_space<hbm>>
      %dma_start3A_47 = arith.constant 0 : i32
      %dma_start3A_48 = tpu.memref_slice %arg14[%mul3A_41, %dma_start3A_47] : memref<10240x32xf32, #tpu.memory_space<vmem_shared>> -> memref<640x32xf32, #tpu.memory_space<vmem_shared>>
      tpu.enqueue_dma source(%dma_start3A_48 : memref<640x32xf32, #tpu.memory_space<vmem_shared>>) target(%dma_start3A_46 : memref<640x32xf32, #tpu.memory_space<hbm>>) target_semaphore(%run_scoped3A : memref<!tpu.dma_semaphore, #tpu.memory_space<semaphore_mem>>)
      %dma_wait3A_49 = arith.constant 0 : i32
      %dma_wait3A_50 = tpu.memref_slice %arg6[%arg0, %mul3A_43, %dma_wait3A_49] : memref<2x10240x32xf32, #tpu.memory_space<hbm>> -> memref<1x640x32xf32, #tpu.memory_space<hbm>>
      %dma_wait3A_51 = tpu.memref_squeeze %dma_wait3A_50 : memref<1x640x32xf32, #tpu.memory_space<hbm>> -> memref<640x32xf32, #tpu.memory_space<hbm>>
      %dma_wait3A_52 = arith.constant 0 : i32
      %dma_wait3A_53 = tpu.memref_slice %arg14[%mul3A_41, %dma_wait3A_52] : memref<10240x32xf32, #tpu.memory_space<vmem_shared>> -> memref<640x32xf32, #tpu.memory_space<vmem_shared>>
      tpu.wait_dma2 semaphore(%run_scoped3A : memref<!tpu.dma_semaphore, #tpu.memory_space<semaphore_mem>>) src(%dma_wait3A_53 : memref<640x32xf32, #tpu.memory_space<vmem_shared>>) dst(%dma_wait3A_51 : memref<640x32xf32, #tpu.memory_space<hbm>>)
      tpu.yield
    }) : () -> ()
    return
  }
}

module attributes {stable_mosaic.version = 14 : i64} {
  func.func @_mm_body(%arg0: memref<10000x128xf32, #tpu.memory_space<vmem>>, %arg1: memref<32x128xf32, #tpu.memory_space<vmem>>, %arg2: memref<32x128xf32, #tpu.memory_space<vmem>>, %arg3: memref<1x32xf32, #tpu.memory_space<vmem>>, %arg4: memref<10000x32xbf16, #tpu.memory_space<vmem>>, %arg5: memref<10240x32xf32, #tpu.memory_space<vmem>>) attributes {dimension_semantics = [], scalar_prefetch = 0 : i64, scratch_operands = 0 : i64, tpu.core_type = #tpu.core_type<tc>} {
    %get3A = arith.constant 0 : index
    %get3A_0 = arith.constant 0 : index
    %get3A_1 = vector.load %arg0[%get3A, %get3A_0] : memref<10000x128xf32, #tpu.memory_space<vmem>>, vector<10000x128xf32>
    %get3A_2 = arith.constant 0 : index
    %get3A_3 = arith.constant 0 : index
    %get3A_4 = vector.load %arg1[%get3A_2, %get3A_3] : memref<32x128xf32, #tpu.memory_space<vmem>>, vector<32x128xf32>
    %dot_general3A = arith.constant dense<0.000000e+00> : vector<10000x32xf32>
    %dot_general3A_5 = tpu.matmul %get3A_1, %get3A_4, %dot_general3A {dimension_numbers = #tpu.dot_dimension_numbers<[1], [1], [0], [0], [0, 0, 1, 0], [], []>, transpose_lhs_hint = false} : vector<10000x128xf32>, vector<32x128xf32>, vector<10000x32xf32> -> vector<10000x32xf32>
    %convert_element_type3A = arith.truncf %dot_general3A_5 : vector<10000x32xf32> to vector<10000x32xbf16>
    %swap3A = arith.constant 0 : index
    %swap3A_6 = arith.constant 0 : index
    %swap3A_7 = vector.load %arg4[%swap3A, %swap3A_6] : memref<10000x32xbf16, #tpu.memory_space<vmem>>, vector<10000x32xbf16>
    tpu.vector_store %arg4[%swap3A, %swap3A_6], %convert_element_type3A {strides = array<i32>} : memref<10000x32xbf16, #tpu.memory_space<vmem>>, vector<10000x32xbf16>,
    %get3A_8 = arith.constant 0 : index
    %get3A_9 = arith.constant 0 : index
    %get3A_10 = vector.load %arg2[%get3A_8, %get3A_9] : memref<32x128xf32, #tpu.memory_space<vmem>>, vector<32x128xf32>
    %dot_general3A_11 = arith.constant dense<0.000000e+00> : vector<10000x32xf32>
    %dot_general3A_12 = tpu.matmul %get3A_1, %get3A_10, %dot_general3A_11 {dimension_numbers = #tpu.dot_dimension_numbers<[1], [1], [0], [0], [0, 0, 1, 0], [], []>, transpose_lhs_hint = false} : vector<10000x128xf32>, vector<32x128xf32>, vector<10000x32xf32> -> vector<10000x32xf32>
    %get3A_13 = arith.constant 0 : index
    %get3A_14 = arith.constant 0 : index
    %get3A_15 = vector.load %arg3[%get3A_13, %get3A_14] : memref<1x32xf32, #tpu.memory_space<vmem>>, vector<1x32xf32>
    %add3A = vector.broadcast %get3A_15 : vector<1x32xf32> to vector<10000x32xf32>
    %add3A_16 = arith.addf %dot_general3A_12, %add3A : vector<10000x32xf32>
    %broadcast_in_dim3A = arith.constant 0.000000e+00 : f32
    %broadcast_in_dim3A_17 = vector.broadcast %broadcast_in_dim3A : f32 to vector<240x32xf32>
    %concatenate3A = tpu.concatenate %add3A_16, %broadcast_in_dim3A_17 in 0 : vector<10000x32xf32>, vector<240x32xf32> -> vector<10240x32xf32>
    %swap3A_18 = arith.constant 0 : index
    %swap3A_19 = arith.constant 0 : index
    %swap3A_20 = vector.load %arg5[%swap3A_18, %swap3A_19] : memref<10240x32xf32, #tpu.memory_space<vmem>>, vector<10240x32xf32>
    tpu.vector_store %arg5[%swap3A_18, %swap3A_19], %concatenate3A {strides = array<i32>} : memref<10240x32xf32, #tpu.memory_space<vmem>>, vector<10240x32xf32>,
    return
  }
}

module attributes {stable_mosaic.version = 14 : i64} {
  func.func @_final_body(%arg0: memref<2x2560x128xf32, #tpu.memory_space<vmem>>, %arg1: memref<4x2500xi32, #tpu.memory_space<vmem>>, %arg2: memref<32x32xf32, #tpu.memory_space<vmem>>, %arg3: memref<1x32xf32, #tpu.memory_space<vmem>>, %arg4: memref<2x32xf32, #tpu.memory_space<vmem>>, %arg5: memref<1x2xf32, #tpu.memory_space<vmem>>, %arg6: memref<64x2xf32, #tpu.memory_space<vmem>>) attributes {dimension_semantics = [], scalar_prefetch = 0 : i64, scratch_operands = 0 : i64, tpu.core_type = #tpu.core_type<tc>} {
    %get3A = arith.constant 0 : index
    %get3A_0 = arith.constant 0 : index
    %get3A_1 = arith.constant 0 : index
    %get3A_2 = vector.load %arg0[%get3A, %get3A_0, %get3A_1] : memref<2x2560x128xf32, #tpu.memory_space<vmem>>, vector<1x2560x128xf32>
    %get3A_3 = vector.shape_cast %get3A_2 : vector<1x2560x128xf32> to vector<2560x128xf32>
    %get3A_4 = arith.constant 1 : index
    %get3A_5 = arith.constant 0 : index
    %get3A_6 = arith.constant 0 : index
    %get3A_7 = vector.load %arg0[%get3A_4, %get3A_5, %get3A_6] : memref<2x2560x128xf32, #tpu.memory_space<vmem>>, vector<1x2560x128xf32>
    %get3A_8 = vector.shape_cast %get3A_7 : vector<1x2560x128xf32> to vector<2560x128xf32>
    %add3A = arith.addf %get3A_3, %get3A_8 : vector<2560x128xf32>
    %max3A = arith.constant 0.000000e+00 : f32
    %max3A_9 = vector.broadcast %max3A : f32 to vector<2560x128xf32>
    %max3A_10 = arith.maximumf %add3A, %max3A_9 : vector<2560x128xf32>
    %slice3A = vector.extract_strided_slice %max3A_10 {offsets = [0, 0], sizes = [2500, 128], strides = [1, 1]} : vector<2560x128xf32> to vector<2500x128xf32>
    %iota3A = tpu.iota {dimensions = array<i32: 0>} : vector<64x2500xi32>
    %broadcast_in_dim3A = arith.constant 0.000000e+00 : f32
    %broadcast_in_dim3A_11 = vector.broadcast %broadcast_in_dim3A : f32 to vector<64x32xf32>
    %get3A_12 = arith.constant 0 : index
    %get3A_13 = arith.constant 0 : index
    %get3A_14 = vector.load %arg1[%get3A_12, %get3A_13] : memref<4x2500xi32, #tpu.memory_space<vmem>>, vector<1x2500xi32>
    %get3A_15 = vector.shape_cast %get3A_14 : vector<1x2500xi32> to vector<2500xi32>
    %broadcast_in_dim3A_16 = vector.shape_cast %get3A_15 : vector<2500xi32> to vector<1x2500xi32>
    %eq3A = vector.broadcast %broadcast_in_dim3A_16 : vector<1x2500xi32> to vector<64x2500xi32>
    %eq3A_17 = arith.cmpi eq, %eq3A, %iota3A : vector<64x2500xi32>
    %convert_element_type3A = arith.extui %eq3A_17 : vector<64x2500xi1> to vector<64x2500xi32>
    %convert_element_type3A_18 = arith.sitofp %convert_element_type3A : vector<64x2500xi32> to vector<64x2500xf32>
    %dot_general3A = arith.constant dense<0.000000e+00> : vector<64x128xf32>
    %dot_general3A_19 = tpu.matmul %convert_element_type3A_18, %slice3A, %dot_general3A {dimension_numbers = #tpu.dot_dimension_numbers<[1], [0], [0], [1], [0, 0, 1, 1], [], []>, transpose_lhs_hint = false} : vector<64x2500xf32>, vector<2500x128xf32>, vector<64x128xf32> -> vector<64x128xf32>
    %slice3A_20 = vector.extract_strided_slice %dot_general3A_19 {offsets = [0, 0], sizes = [64, 32], strides = [1, 1]} : vector<64x128xf32> to vector<64x32xf32>
    %add3A_21 = arith.addf %broadcast_in_dim3A_11, %slice3A_20 : vector<64x32xf32>
    %get3A_22 = arith.constant 1 : index
    %get3A_23 = arith.constant 0 : index
    %get3A_24 = vector.load %arg1[%get3A_22, %get3A_23] : memref<4x2500xi32, #tpu.memory_space<vmem>>, vector<1x2500xi32>
    %get3A_25 = vector.shape_cast %get3A_24 : vector<1x2500xi32> to vector<2500xi32>
    %broadcast_in_dim3A_26 = vector.shape_cast %get3A_25 : vector<2500xi32> to vector<1x2500xi32>
    %eq3A_27 = vector.broadcast %broadcast_in_dim3A_26 : vector<1x2500xi32> to vector<64x2500xi32>
    %eq3A_28 = arith.cmpi eq, %eq3A_27, %iota3A : vector<64x2500xi32>
    %convert_element_type3A_29 = arith.extui %eq3A_28 : vector<64x2500xi1> to vector<64x2500xi32>
    %convert_element_type3A_30 = arith.sitofp %convert_element_type3A_29 : vector<64x2500xi32> to vector<64x2500xf32>
    %dot_general3A_31 = arith.constant dense<0.000000e+00> : vector<64x128xf32>
    %dot_general3A_32 = tpu.matmul %convert_element_type3A_30, %slice3A, %dot_general3A_31 {dimension_numbers = #tpu.dot_dimension_numbers<[1], [0], [0], [1], [0, 0, 1, 1], [], []>, transpose_lhs_hint = false} : vector<64x2500xf32>, vector<2500x128xf32>, vector<64x128xf32> -> vector<64x128xf32>
    %slice3A_33 = vector.extract_strided_slice %dot_general3A_32 {offsets = [0, 32], sizes = [64, 32], strides = [1, 1]} : vector<64x128xf32> to vector<64x32xf32>
    %add3A_34 = arith.addf %add3A_21, %slice3A_33 : vector<64x32xf32>
    %get3A_35 = arith.constant 2 : index
    %get3A_36 = arith.constant 0 : index
    %get3A_37 = vector.load %arg1[%get3A_35, %get3A_36] : memref<4x2500xi32, #tpu.memory_space<vmem>>, vector<1x2500xi32>
    %get3A_38 = vector.shape_cast %get3A_37 : vector<1x2500xi32> to vector<2500xi32>
    %broadcast_in_dim3A_39 = vector.shape_cast %get3A_38 : vector<2500xi32> to vector<1x2500xi32>
    %eq3A_40 = vector.broadcast %broadcast_in_dim3A_39 : vector<1x2500xi32> to vector<64x2500xi32>
    %eq3A_41 = arith.cmpi eq, %eq3A_40, %iota3A : vector<64x2500xi32>
    %convert_element_type3A_42 = arith.extui %eq3A_41 : vector<64x2500xi1> to vector<64x2500xi32>
    %convert_element_type3A_43 = arith.sitofp %convert_element_type3A_42 : vector<64x2500xi32> to vector<64x2500xf32>
    %dot_general3A_44 = arith.constant dense<0.000000e+00> : vector<64x128xf32>
    %dot_general3A_45 = tpu.matmul %convert_element_type3A_43, %slice3A, %dot_general3A_44 {dimension_numbers = #tpu.dot_dimension_numbers<[1], [0], [0], [1], [0, 0, 1, 1], [], []>, transpose_lhs_hint = false} : vector<64x2500xf32>, vector<2500x128xf32>, vector<64x128xf32> -> vector<64x128xf32>
    %slice3A_46 = vector.extract_strided_slice %dot_general3A_45 {offsets = [0, 64], sizes = [64, 32], strides = [1, 1]} : vector<64x128xf32> to vector<64x32xf32>
    %add3A_47 = arith.addf %add3A_34, %slice3A_46 : vector<64x32xf32>
    %get3A_48 = arith.constant 3 : index
    %get3A_49 = arith.constant 0 : index
    %get3A_50 = vector.load %arg1[%get3A_48, %get3A_49] : memref<4x2500xi32, #tpu.memory_space<vmem>>, vector<1x2500xi32>
    %get3A_51 = vector.shape_cast %get3A_50 : vector<1x2500xi32> to vector<2500xi32>
    %broadcast_in_dim3A_52 = vector.shape_cast %get3A_51 : vector<2500xi32> to vector<1x2500xi32>
    %eq3A_53 = vector.broadcast %broadcast_in_dim3A_52 : vector<1x2500xi32> to vector<64x2500xi32>
    %eq3A_54 = arith.cmpi eq, %eq3A_53, %iota3A : vector<64x2500xi32>
    %convert_element_type3A_55 = arith.extui %eq3A_54 : vector<64x2500xi1> to vector<64x2500xi32>
    %convert_element_type3A_56 = arith.sitofp %convert_element_type3A_55 : vector<64x2500xi32> to vector<64x2500xf32>
    %dot_general3A_57 = arith.constant dense<0.000000e+00> : vector<64x128xf32>
    %dot_general3A_58 = tpu.matmul %convert_element_type3A_56, %slice3A, %dot_general3A_57 {dimension_numbers = #tpu.dot_dimension_numbers<[1], [0], [0], [1], [0, 0, 1, 1], [], []>, transpose_lhs_hint = false} : vector<64x2500xf32>, vector<2500x128xf32>, vector<64x128xf32> -> vector<64x128xf32>
    %slice3A_59 = vector.extract_strided_slice %dot_general3A_58 {offsets = [0, 96], sizes = [64, 32], strides = [1, 1]} : vector<64x128xf32> to vector<64x32xf32>
    %add3A_60 = arith.addf %add3A_47, %slice3A_59 : vector<64x32xf32>
    %get3A_61 = arith.constant 0 : index
    %get3A_62 = arith.constant 0 : index
    %get3A_63 = vector.load %arg2[%get3A_61, %get3A_62] : memref<32x32xf32, #tpu.memory_space<vmem>>, vector<32x32xf32>
    %dot_general3A_64 = arith.constant dense<0.000000e+00> : vector<64x32xf32>
    %dot_general3A_65 = tpu.matmul %add3A_60, %get3A_63, %dot_general3A_64 {dimension_numbers = #tpu.dot_dimension_numbers<[1], [1], [0], [0], [0, 0, 1, 0], [], []>, transpose_lhs_hint = false} : vector<64x32xf32>, vector<32x32xf32>, vector<64x32xf32> -> vector<64x32xf32>
    %get3A_66 = arith.constant 0 : index
    %get3A_67 = arith.constant 0 : index
    %get3A_68 = vector.load %arg3[%get3A_66, %get3A_67] : memref<1x32xf32, #tpu.memory_space<vmem>>, vector<1x32xf32>
    %add3A_69 = vector.broadcast %get3A_68 : vector<1x32xf32> to vector<64x32xf32>
    %add3A_70 = arith.addf %dot_general3A_65, %add3A_69 : vector<64x32xf32>
    %max3A_71 = arith.constant 0.000000e+00 : f32
    %max3A_72 = vector.broadcast %max3A_71 : f32 to vector<64x32xf32>
    %max3A_73 = arith.maximumf %add3A_70, %max3A_72 : vector<64x32xf32>
    %get3A_74 = arith.constant 0 : index
    %get3A_75 = arith.constant 0 : index
    %get3A_76 = vector.load %arg4[%get3A_74, %get3A_75] : memref<2x32xf32, #tpu.memory_space<vmem>>, vector<2x32xf32>
    %dot_general3A_77 = arith.constant dense<0.000000e+00> : vector<64x2xf32>
    %dot_general3A_78 = tpu.matmul %max3A_73, %get3A_76, %dot_general3A_77 {dimension_numbers = #tpu.dot_dimension_numbers<[1], [1], [0], [0], [0, 0, 1, 0], [], []>, transpose_lhs_hint = false} : vector<64x32xf32>, vector<2x32xf32>, vector<64x2xf32> -> vector<64x2xf32>
    %get3A_79 = arith.constant 0 : index
    %get3A_80 = arith.constant 0 : index
    %get3A_81 = vector.load %arg5[%get3A_79, %get3A_80] : memref<1x2xf32, #tpu.memory_space<vmem>>, vector<1x2xf32>
    %add3A_82 = vector.broadcast %get3A_81 : vector<1x2xf32> to vector<64x2xf32>
    %add3A_83 = arith.addf %dot_general3A_78, %add3A_82 : vector<64x2xf32>
    %reduce_max3A = arith.constant dense<0xFF800000> : vector<64xf32>
    %reduce_max3A_84 = vector.multi_reduction <maximumf>, %add3A_83, %reduce_max3A [1] : vector<64x2xf32> to vector<64xf32>
    %broadcast_in_dim3A_85 = vector.shape_cast %reduce_max3A_84 : vector<64xf32> to vector<64x1xf32>
    %sub3A = vector.broadcast %broadcast_in_dim3A_85 : vector<64x1xf32> to vector<64x2xf32>
    %sub3A_86 = arith.subf %add3A_83, %sub3A : vector<64x2xf32>
    %exp3A = math.exp %sub3A_86 : vector<64x2xf32>
    %reduce_sum3A = arith.constant dense<0.000000e+00> : vector<64xf32>
    %reduce_sum3A_87 = vector.multi_reduction <add>, %exp3A, %reduce_sum3A [1] : vector<64x2xf32> to vector<64xf32>
    %broadcast_in_dim3A_88 = vector.shape_cast %reduce_sum3A_87 : vector<64xf32> to vector<64x1xf32>
    %log3A = math.log %broadcast_in_dim3A_88 : vector<64x1xf32>
    %sub3A_89 = vector.broadcast %log3A : vector<64x1xf32> to vector<64x2xf32>
    %sub3A_90 = arith.subf %sub3A_86, %sub3A_89 : vector<64x2xf32>
    %swap3A = arith.constant 0 : index
    %swap3A_91 = arith.constant 0 : index
    %swap3A_92 = vector.load %arg6[%swap3A, %swap3A_91] : memref<64x2xf32, #tpu.memory_space<vmem>>, vector<64x2xf32>
    tpu.vector_store %arg6[%swap3A, %swap3A_91], %sub3A_90 {strides = array<i32>} : memref<64x2xf32, #tpu.memory_space<vmem>>, vector<64x2xf32>,
    return
  }
}

</mosaic_0001>

<sc_bundles>
// kernel: kernel.5.cloned.1.call-start
scs
__scs_entry_jumppad:
0x0: {  	(pc) =	sbr.rel $0x88, $3  }
0x1: {  	(tag) =	ssettag $0x0;
	lr =	simm.s32 $0x1  }
0x2: {  	[smem:$0x3F96] =	sst lr;
	_ =	strace $0xD0000000  }
0x3: {  	_ = 	snop  }
0x4: {  	_ = 	snop  }
0x5: {  	_ = 	snop  }
0x6: {  	_ = 	snop  }
0x7: {  	_ = 	snop  }
__scs_overlays_trampoline_lowered:
0x8: {  	[smem:$0x3FA5] =	sst s0  }
0x9: {  	[smem:$0x3FA6] =	sst s1  }
0xa: {  	[smem:$0x3FA7] =	sst s2  }
0xb: {  	[smem:$0x3FA8] =	sst s3  }
0xc: {  	[smem:$0x3FA9] =	sst s4  }
0xd: {  	[smem:$0x3FAA] =	sst s5  }
0xe: {  	[smem:$0x3FAB] =	sst s6  }
0xf: {  	[smem:$0x3FAC] =	sst s7  }
0x10: {  	[smem:$0x3FAD] =	sst s8  }
0x11: {  	[smem:$0x3FAE] =	sst s9;
	s0 =	simm.s32 @!p0 $0x0  }
0x12: {  	s1 =	sld [smem:$0x3F94];
	s0 =	simm.s32 @p0 $0x1  }
0x13: {  	[smem:$0x3FAF] =	sst s0;
	s0 =	simm.s32 @!p1 $0x0  }
0x14: {  	s2 =	sld [smem:$0x3F93];
	s0 =	simm.s32 @p1 $0x1  }
0x15: {  	[smem:$0x3FB0] =	sst s0;
	s0 =	simm.s32 @!p2 $0x0  }
0x16: {  	s3 =	sld [smem:$0x3FDB];
	s0 =	simm.s32 @p2 $0x1  }
0x17: {  	s4 =	simm.s32 $0x1BF5;
	[smem:$0x3FB2] =	sst s0  }
0x18: {  	s0 =	sld [smem:$0x3F95];
	_ =	swait.ge [sflag:s4], $0x0  }
0x19: {  	s7 =	sld [smem:$0x3F96]  }
0x1a: {  	s8 =	sadd.s32 $0xFFFFE003, lr  }
0x1b: {  	s9 =	sadd.s32 $0xFFFFFEF7, lr;
	s5 =	simm.s32 $0xFFFFFFFF;
	p2 =	slt.u32 s8, $0xFFFFF086  }
0x1c: {  	p1 =	slt.u32 s9, $0xF7A;
	s5 =	simm.s32 @!p2 $0x0  }
0x1d: {  	s5 =	simm.s32 @p1 $0x1;
	p0 =	seq.s32 s7, s2  }
0x1e: {  	s7 =	smul.u32 @!p0 $0xF7A, s2;
	p2 =	seq.s32 @!p0 s5, $0x0  }
0x1f: {  	s9 =	smul.u32 $0xF7A, s1;
	s8 =	simm.s32 @!p0 $0x1BF5;
	p2 =	por !p2, p0  }
0x20: {  	[sflag:s8] =	ssyncset.s32 @!p0 $0xFFFFF086;
	s6 =	sadd.s32 @!p0 s3, s7;
	s7 =	simm.s32 @!p0 $0x108  }
0x21: {  	s3 =	sadd.s32 s3, s9;
	s6 =	sadd.s32 @!p0 $0x88, s6;
	s7 =	simm.s32 @p2 $0x1082  }
0x22: {  	[simem:s7], [sflag:s8] =	dma.local @!p0 [hbm:s6], $0xF7A  }
0x23: {  	s9 =	sor.u32 $0xD0000000, s2;
	s6 =	simm.s32 $0x108;
	_ =	swait.ge @!p0 [sflag:s8], $0x0  }
0x24: {  	s3 =	sadd.s32 $0x88, s3;
	s6 =	simm.s32 @!p1 $0x1082;
	[sflag:s4] =	ssyncset.s32 $0xFFFFF086  }
0x25: {  	[simem:s6], [sflag:s4] =	dma.local [hbm:s3], $0xF7A  }
0x26: {  	[smem:$0x3F96] =	sst s1;
	(tag) =	ssettag s2;
	_ =	strace s9  }
0x27: {  	s1 =	sld [smem:$0x3FA6]  }
0x28: {  	s2 =	sld [smem:$0x3FA7]  }
0x29: {  	s4 =	sld [smem:$0x3FA9]  }
0x2a: {  	p0 =	seq.s32 s5, $0x0;
	s5 =	sld [smem:$0x3FAA]  }
0x2b: {  	s6 =	sld [smem:$0x3FAB]  }
0x2c: {  	s7 =	sld [smem:$0x3FAC]  }
0x2d: {  	s3 =	simm.s32 $0x108;
	s8 =	sld [smem:$0x3FAD]  }
0x2e: {  	s3 =	simm.s32 @!p0 $0x1082;
	s9 =	sld [smem:$0x3FAE]  }
0x2f: {  	lr =	sadd.s32 s0, s3;
	s0 =	sld [smem:$0x3FA5]  }
0x30: {  	s3 =	sld [smem:$0x3FA8]  }
0x31: {  	[smem:$0x3FB1] =	sst s10  }
0x32: {  	s10 =	sld [smem:$0x3FAF];
	_ =	sdelay $0x3  }
0x33: {  	p0 =	seq.s32 s10, $0x1;
	s10 =	sld [smem:$0x3FB1];
	_ =	sdelay $0x3  }
0x34: {  	[smem:$0x3FB1] =	sst s10  }
0x35: {  	s10 =	sld [smem:$0x3FB0];
	_ =	sdelay $0x3  }
0x36: {  	p1 =	seq.s32 s10, $0x1;
	s10 =	sld [smem:$0x3FB1];
	_ =	sdelay $0x3  }
0x37: {  	[smem:$0x3FB1] =	sst s10  }
0x38: {  	s10 =	sld [smem:$0x3FB2]  }
0x39: {  	_ = 	snop;
	(pc) =	sbr.ind lr, $3  }
0x3a: {  	_ = 	snop  }
0x3b: {  	_ = 	snop  }
0x3c: {  	p2 =	seq.s32 s10, $0x1;
	s10 =	sld [smem:$0x3FB1]  }
0x3d: {  	_ =	shalt  }
0x3e: {  	_ =	shalt  }
0x3f: {  	_ =	shalt  }
0x40: {  	_ =	shalt  }
0x41: {  	_ =	shalt  }
0x42: {  	_ =	shalt  }
0x43: {  	_ =	shalt  }
0x44: {  	_ =	shalt  }
0x45: {  	_ =	shalt  }
0x46: {  	_ =	shalt  }
0x47: {  	_ =	shalt  }
0x48: {  	_ =	shalt  }
0x49: {  	_ =	shalt  }
0x4a: {  	_ =	shalt  }
0x4b: {  	_ =	shalt  }
0x4c: {  	_ =	shalt  }
0x4d: {  	_ =	shalt  }
0x4e: {  	_ =	shalt  }
0x4f: {  	_ =	shalt  }
0x50: {  	_ =	shalt  }
0x51: {  	_ =	shalt  }
0x52: {  	_ =	shalt  }
0x53: {  	_ =	shalt  }
0x54: {  	_ =	shalt  }
0x55: {  	_ =	shalt  }
0x56: {  	_ =	shalt  }
0x57: {  	_ =	shalt  }
0x58: {  	_ =	shalt  }
0x59: {  	_ =	shalt  }
0x5a: {  	_ =	shalt  }
0x5b: {  	_ =	shalt  }
0x5c: {  	_ =	shalt  }
0x5d: {  	_ =	shalt  }
0x5e: {  	_ =	shalt  }
0x5f: {  	_ =	shalt  }
0x60: {  	_ =	shalt  }
0x61: {  	_ =	shalt  }
0x62: {  	_ =	shalt  }
0x63: {  	_ =	shalt  }
0x64: {  	_ =	shalt  }
0x65: {  	_ =	shalt  }
0x66: {  	_ =	shalt  }
0x67: {  	_ =	shalt  }
0x68: {  	_ =	shalt  }
0x69: {  	_ =	shalt  }
0x6a: {  	_ =	shalt  }
0x6b: {  	_ =	shalt  }
0x6c: {  	_ =	shalt  }
0x6d: {  	_ =	shalt  }
0x6e: {  	_ =	shalt  }
0x6f: {  	_ =	shalt  }
0x70: {  	_ =	shalt  }
0x71: {  	_ =	shalt  }
0x72: {  	_ =	shalt  }
0x73: {  	_ =	shalt  }
0x74: {  	_ =	shalt  }
0x75: {  	_ =	shalt  }
0x76: {  	_ =	shalt  }
0x77: {  	_ =	shalt  }
0x78: {  	_ =	shalt  }
0x79: {  	_ =	shalt  }
0x7a: {  	_ =	shalt  }
0x7b: {  	_ =	shalt  }
0x7c: {  	_ =	shalt  }
0x7d: {  	_ =	shalt  }
0x7e: {  	_ =	shalt  }
0x7f: {  	_ =	shalt  }
0x80: {  	_ =	shalt  }
0x81: {  	_ =	shalt  }
0x82: {  	_ =	shalt  }
0x83: {  	_ =	shalt  }
0x84: {  	_ =	shalt  }
0x85: {  	_ =	shalt  }
0x86: {  	_ =	shalt  }
0x87: {  	_ =	shalt  }
.Lfunc_end0:
.L_simem_size_0:
called_computation_lowered:
.L_overlay_start_0:
0x88: {  	s2 =	sld [smem:$0x3FD9]  }
0x89: {  	s3 =	sld [smem:$0x3FFE];
	_ =	sdelay $0x1  }
0x8a: {  	s1 =	srdreg.scid  }
0x8b: {  	s0 =	sand.u32 $0x1, s1  }
0x8c: {  	s16 =	sshll.u32 s0, $0xA;
	s2 =	sadd.s32 s3, s2  }
0x8d: {  	s2 =	sadd.s32 s2, s16  }
0x8e: {  	[smem:$0x3FBD] =	sst s2  }
0x8f: {  	_ = 	snop  }
0x90: {  	(tm) =	ssettm $0x1  }
0x91: {  	s17 =	sld [smem:$0x3FFB];
	_ =	sdelay $0x3  }
0x92: {  	_ =	strace s17  }
0x93: {  	s2 =	sld [smem:$0x3FFC];
	_ =	sdelay $0x3  }
0x94: {  	_ =	strace s2  }
0x95: {  	s2 =	sld [smem:$0x3FFD];
	_ =	sdelay $0x3  }
0x96: {  	_ =	strace s2  }
0x97: {  	_ =	strace $0x8FFFFFFF  }
0x98: {  	s18 =	sld [smem:$0x3FDB];
	_ =	sdelay $0x1  }
0x99: {  	s19 =	simm.s32 $_scs_section_size  }
0x9a: {  	s4 =	simm.s32 $_size__tile_overlayer_lowered;
	s5 =	simm.s32 $_tile_overlayer_lowered  }
0x9b: {  	s22 =	simm.s32 $0x1BFF;
	s21 =	sshll.u32 s5, $0x1;
	s2 =	sadd.s32 s19, s18  }
0x9c: {  	s6 =	simm.s32 $0x0;
	s20 =	sshll.u32 s4, $0x1;
	s4 =	sadd.s32 s21, s2  }
0x9d: {  	[timem:s6], [sflag:s22] =	dma.local [hbm:s4], s20  }
0x9e: {  	_ =	swait.ge [sflag:s22], s20  }
0x9f: {  	s3 =	ssub.s32 $0x0, s20;
	[sflag:s22] =	ssyncset.done $0x0  }
0xa0: {  	[sflag:s22] =	ssyncadd.s32 s3;
	_ =	sdelay $0x1  }
0xa1: {  	s23 =	simm.s32 $0x1B8B  }
0xa2: {  	_ =	swait.ge [sflag:s23], $0x1  }
0xa3: {  	[sflag:s23] =	ssyncset.done $0x0  }
0xa4: {  	s25 =	simm.s32 $0x1B8E;
	s24 =	sld [smem:$0x3FFE];
	[sflag:s23] =	ssyncadd.s32 $0xFFFFFFFF  }
0xa5: {  	s26 =	simm.s32 $execute0_lowered;
	[smem:$0x3FD2] =	sst s25  }
0xa6: {  	s4 =	sshll.u32 s26, $0x1;
	_ =	strace $0x80000046;
	[dreg:$0x1] =	wrdreg $0xFFFFFFFF  }
0xa7: {  	s28 =	simm.s32 $_size_execute0_lowered;
	s2 =	sadd.s32 s2, s4;
	[dreg:$0x0] =	wrdreg $0x0  }
0xa8: {  	s4 =	sshll.u32 s28, $0x1;
	[dreg:$0x2] =	wrdreg s2  }
0xa9: {  	[dreg:$0x3] =	wrdreg s4  }
0xaa: {  	[dreg:$0x4] =	wrdreg $0xC0  }
0xab: {  	_ =	task [dreg:s6], $0x5FFFF  }
0xac: {  	[dreg:$0x1] =	wrdreg $0xFFFFFFFF  }
0xad: {  	[dreg:$0x0] =	wrdreg $0x60  }
0xae: {  	[dreg:$0x2] =	wrdreg s24  }
0xaf: {  	[dreg:$0x3] =	wrdreg $0xA8000  }
0xb0: {  	[dreg:$0x4] =	wrdreg $0x9  }
0xb1: {  	_ =	task.clear_ibuf [dreg:s6], $0x5FFFF;
	_ =	strace $0x90000046  }
0xb2: {  	s29 =	simm.s32 $0x9;
	_ =	strace $0x80000048  }
0xb3: {  	_ =	swait.ge [sflag:s29], $0x1  }
0xb4: {  	[sflag:s29] =	ssyncadd.s32 $0xFFFFFFFF  }
0xb5: {  	_ =	strace $0x90000048  }
0xb6: {  	_ =	sfence  }
0xb7: {  	s30 =	sld [smem:$0x0];
	_ =	sdelay $0x2  }
0xb8: {  	s31 =	sshll.u32 s1, $0xD;
	s1 =	sshrl.u32 s1, $0x2  }
0xb9: {  	s3 =	sand.u32 $0x4000, s31;
	s1 =	sadd.s32 s1, s30  }
0xba: {  	s0 =	sor.u32 s3, s0;
	s1 =	sshll.u32 s1, $0x11  }
0xbb: {  	s0 =	sor.u32 s1, s0  }
0xbc: {  	s0 =	sadd.s32 $0x8F2B, s0  }
0xbd: {  	[sflag:s0] =	ssyncadd.remote.s32 $0x1  }
0xbe: {  	_ =	sfence.sel $0xFFFF  }
0xbf: {  	[dreg:$0x0] =	wrdreg $0xFFFFFFFF;
	(pc) =	sbr.abs _section_cstart, $3  }
0xc0: {  	[dreg:$0x1] =	wrdreg $0xFFFFFFFF  }
0xc1: {  	_ =	task.clear_ibuf [dreg:s6], $0x2FFFF;
	_ =	strace $0x9FFFFFFF  }
0xc2: {  	(tm) =	ssettm $0x7FFFFFFF  }
0xc3: {  	_ =	shalt  }
tec
execute0_lowered:
.L_overlay_start_1:
0x0: {  	(tag) =	ssettag $0x1  }
0x1: {  	s0 =	srdreg.scid;
	s1 =	rddreg [dreg:$0x0]  }
0x2: {  	s15 =	stileid.u32;
	s2 =	rddreg [dreg:$0x1];
	s18 =	simm.s32 $0x5  }
0x3: {  	s20 =	simm.s32 $0x80;
	s21 =	simm.s32 $0x7800;
	s22 =	simm.s32 $0x8000  }
0x4: {  	s23 =	simm.s32 $0x1;
	s28 =	simm.s32 $0x3;
	s29 =	simm.s32 $0x4  }
0x5: {  	s0 =	sand.u32 $0x1, s0;
	s7 =	smul.u32 $0x5000, s15;
	s4 =	sadd.s32 $0x1C00, s1  }
0x6: {  	s9 =	sadd.s32 $0x10C00, s1;
	s11 =	smul.u32 $0x14000, s15;
	s31 =	sshll.u32 s15, $0x6  }
0x7: {  	s3 =	sshll.u32 s0, $0x4;
	s8 =	smul.u32 $0x50000, s0;
	s12 =	ssub.s32 $0x2, s0  }
0x8: {  	p0 =	sne.s32 s0, $0x0;
	s16 =	sor.u32 $0x1C05, s31;
	s5 =	sor.u32 s15, s3  }
0x9: {  	s3 =	simm.s32 $0x0;
	s10 =	sshrl.u32 s7, $0x3;
	s11 =	sshrl.u32 s11, $0x2  }
0xa: {  	s14 =	sshrl.u32 s12, $0x1;
	s6 =	smul.u32 $0x500, s5;
	[smem:$0x7FF] =	sst s3  }
0xb: {  	s10 =	sadd.s32 s10, s1;
	s8 =	sadd.s32 s7, s8;
	s11 =	sadd.s32 s11, s2  }
0xc: {  	s5 =	smul.u32 $0x2800, s5;
	s24 =	ssub.s32 s12, s14;
	s7 =	sadd.s32 s7, s2  }
0xd: {  	_ =	strace $0x80000047;
	s8 =	sshrl.u32 s8, $0x3;
	s25 =	sadd.s32 $0x1000, s11  }
0xe: {  	s26 =	sadd.s32 $0x2000, s11;
	s30 =	sadd.s32 $0x3000, s11;
	[dreg:$0x3] =	wrdreg s11  }
0xf: {  	s11 =	sadd.s32 $0x4000, s11;
	s10 =	sadd.s32 $0x6C00, s10;
	[dreg:$0x4] =	wrdreg s25  }
0x10: {  	s15 =	smax.u32 s24, $0x1;
	s17 =	sshrl.u32 s7, $0x3;
	[dreg:$0x5] =	wrdreg s26  }
0x11: {  	s24 =	simm.s32 $0x8800;
	s13 =	sadd.s32 s6, s1;
	[dreg:$0x6] =	wrdreg s30  }
0x12: {  	s1 =	sadd.s32 s8, s1;
	s5 =	sshrl.u32 s5, $0x3;
	[dreg:$0x7] =	wrdreg s11  }
0x13: {  	[dreg:$0x8] =	wrdreg s10;
	s6 =	sadd.s32 s9, s6;
	s25 =	simm.s32 $0x2  }
0x14: {  	s26 =	simm.s32 $0x9800;
	s5 =	sadd.s32 s9, s5;
	[dreg:$0x9] =	wrdreg s6  }
0x15: {  	v0 =	vimm.f32 $0.0e+00;
	s13 =	sadd.s32 $0x24C00, s13;
	s14 =	sadd.s32 $0x2EC00, s1;
	s12 =	sadd.s32 $0xA000, s5  }
.LBB2_1:
.Ltmp0:
0x16: {  	(pc) =	sbr.rel @p0 .LBB2_3-.Ltmp0, $1  }
0x17: {  	_ =	sdelay $0x3  }
.Ltmp1:
0x18: {  	s0 =	rddreg [dreg:$0x8];
	(pc) =	sbr.rel .LBB2_6-.Ltmp1, $4  }
0x19: {  	[spmem:s17], [sflag:s16] =	dma.local [hbm:s0], $0xA00  }
0x1a: {  	_ =	swait.ge [sflag:s18], $0xA00  }
0x1b: {  	[sflag:s18] =	ssyncset.done $0x0  }
0x1c: {  	[sflag:s18] =	ssyncadd.s32 $0xFFFFF600  }
.LBB2_3:
0x1d: {  	s0 =	simm.s32 $0x80;
	s1 =	simm.s32 $0x0  }
.LBB2_4:
0x1e: {  	p1 =	sne.s32 s0, $0x3F80;
	[tilespmem:s1+$0x8800] =	vst v0;
	s5 =	smov.u32 s0;
	s0 =	sadd.s32 $0x80, s0  }
.Ltmp2:
0x1f: {  	[tilespmem:s1+$0x8810] =	vst v0;
	(pc) =	sbr.rel @p1 .LBB2_4-.Ltmp2, $2  }
0x20: {  	_ =	sdelay $0x2  }
0x21: {  	s1 =	sshra.s32 s5, $0x2  }
0x22: {  	[tilespmem:s1+$0x8800] =	vst v0  }
0x23: {  	[tilespmem:s1+$0x8810] =	vst v0;
	s0 =	rddreg [dreg:$0x3]  }
0x24: {  	[spmem:s0] =	stream.linear.scatter [tilespmem:s24], [sflag:$0x5], $0x1000, $0x38;
	[tilespmem:$0xF800] =	vst v63  }
0x25: {  	_ =	swait.ge [sflag:s18], $0x1000  }
0x26: {  	[sflag:s18] =	ssyncset.done $0x0  }
0x27: {  	s11 =	rddreg [dreg:$0x4];
	[sflag:s18] =	ssyncadd.s32 $0xFFFFF000  }
0x28: {  	[spmem:s11] =	stream.linear.scatter [tilespmem:s24], [sflag:$0x5], $0x1000, $0x38;
	[tilespmem:$0xF800] =	vst v63  }
0x29: {  	_ =	swait.ge [sflag:s18], $0x1000  }
0x2a: {  	[sflag:s18] =	ssyncset.done $0x0  }
0x2b: {  	s19 =	rddreg [dreg:$0x5];
	[sflag:s18] =	ssyncadd.s32 $0xFFFFF000  }
0x2c: {  	[spmem:s19] =	stream.linear.scatter [tilespmem:s24], [sflag:$0x5], $0x1000, $0x38;
	[tilespmem:$0xF800] =	vst v63  }
0x2d: {  	_ =	swait.ge [sflag:s18], $0x1000  }
0x2e: {  	[sflag:s18] =	ssyncset.done $0x0  }
0x2f: {  	s30 =	rddreg [dreg:$0x6];
	[sflag:s18] =	ssyncadd.s32 $0xFFFFF000  }
0x30: {  	[spmem:s30] =	stream.linear.scatter [tilespmem:s24], [sflag:$0x5], $0x1000, $0x38;
	[tilespmem:$0xF800] =	vst v63  }
0x31: {  	_ =	swait.ge [sflag:s18], $0x1000  }
0x32: {  	[sflag:s18] =	ssyncset.done $0x0  }
0x33: {  	s31 =	rddreg [dreg:$0x7];
	[sflag:s18] =	ssyncadd.s32 $0xFFFFF000  }
0x34: {  	[spmem:s31] =	stream.linear.scatter [tilespmem:s24], [sflag:$0x5], $0x1000, $0x38;
	[tilespmem:$0xF800] =	vst v63  }
0x35: {  	_ =	swait.ge [sflag:s18], $0x1000  }
0x36: {  	[sflag:s18] =	ssyncset.done $0x0  }
0x37: {  	[sflag:s18] =	ssyncadd.s32 $0xFFFFF000  }
.LBB2_6:
0x38: {  	[bflag:$0x0] =	sbarrier.arrive $0xFFFF  }
0x39: {  	s30 =	simm.s32 $0x0;
	s0 =	rddreg [dreg:$0x9]  }
0x3a: {  	[tilespmem:s30], [sflag:$0x5] =	stream.linear.gather [hbm4b:s0+s30], $0x2800, $0x38;
	[tilespmem:$0xF800] =	vst v63  }
0x3b: {  	_ =	swait.ge [sflag:s18], $0x2800  }
0x3c: {  	[sflag:s18] =	ssyncset.done $0x0  }
0x3d: {  	s19 =	simm.s32 $0x2800;
	[sflag:s18] =	ssyncadd.s32 $0xFFFFD800  }
0x3e: {  	[tilespmem:s19], [sflag:$0x5] =	stream.linear.gather [hbm4b:s12+s30], $0x2800, $0x38;
	[tilespmem:$0xF800] =	vst v63  }
0x3f: {  	_ =	swait.ge [sflag:s18], $0x2800  }
0x40: {  	[sflag:s18] =	ssyncset.done $0x0  }
0x41: {  	s31 =	simm.s32 $0x5000;
	[sflag:s18] =	ssyncadd.s32 $0xFFFFD800  }
0x42: {  	[tilespmem:s31], [sflag:$0x5] =	stream.linear.gather [hbm4b:s13+s30], $0x2800, $0x38;
	[tilespmem:$0xF800] =	vst v63  }
0x43: {  	_ =	swait.ge [sflag:s18], $0x2800  }
0x44: {  	[sflag:s18] =	ssyncset.done $0x0  }
0x45: {  	s1 =	simm.s32 $0x5080;
	[sflag:s18] =	ssyncadd.s32 $0xFFFFD800  }
0x46: {  	[tilespmem:s21], [sflag:$0x1] =	stream.indirect.gather [hbm4b:s4+s20], $0x10, s30, s20, $0xb8;
	[tilespmem:$0xF800] =	vst v63  }
.LBB2_7:
0x47: {  	s0 =	sshll.u32 s30, $0x8  }
0x48: {  	s0 =	sor.u32 $0x80, s0  }
0x49: {  	[tilespmem:s22], [sflag:$0x2] =	stream.indirect.gather [hbm4b:s4+s20], $0x10, s0, s20, $0xb8;
	[tilespmem:$0xF800] =	vst v63  }
0x4a: {  	_ =	swait.ge [sflag:s23], $0x800  }
0x4b: {  	p1 =	seq.s32 s30, $0x0;
	v1 =	vmov s31;
	[sflag:s23] =	ssyncset.done $0x0  }
0x4c: {  	s5 =	simm.s32 @!p1 $0x3;
	[sflag:s23] =	ssyncadd.s32 $0xFFFFF800  }
0x4d: {  	_ =	swait.ge @!p1 [sflag:s5], $0x1000  }
0x4e: {  	[sflag:s5] =	ssyncset.done @!p1 $0x0  }
0x4f: {  	s11 =	simm.s32 $0x0;
	[sflag:s5] =	ssyncadd.s32 @!p1 $0xFFFFF000  }
0x50: {  	s19 =	simm.s32 $0x7880;
	v2 =	vld.idx.msk [tilespmem:v1+s11+$0x0 ss:$0x1], $0xffff  }
0x51: {  	v3 =	vld [tilespmem:s19+$0xFFFFFF80];
	_ =	sdelay $0x3  }
0x52: {  	v4 =	vbroadcast v2, $0x0  }
0x53: {  	v5 =	vshll.u32 v3, $0x10  }
0x54: {  	v3 =	vand.u32 $0xFFFF0000, v3;
	v5 =	vmul.f32 v5, v4  }
0x55: {  	s6 =	simm.s32 $0x8900;
	v3 =	vmul.f32 v3, v4  }
0x56: {  	[tilespmem:s6+$0xFFFFFF00] =	vst v5  }
0x57: {  	[tilespmem:s6+$0xFFFFFF10] =	vst v3  }
0x58: {  	v3 =	vld [tilespmem:s19+$0xFFFFFF90];
	_ =	sdelay $0x3  }
0x59: {  	v4 =	vbroadcast v2, $0x1  }
0x5a: {  	v5 =	vshll.u32 v3, $0x10  }
0x5b: {  	v3 =	vand.u32 $0xFFFF0000, v3;
	v5 =	vmul.f32 v5, v4  }
0x5c: {  	v3 =	vmul.f32 v3, v4  }
0x5d: {  	[tilespmem:s6+$0xFFFFFF20] =	vst v5  }
0x5e: {  	[tilespmem:s6+$0xFFFFFF30] =	vst v3  }
0x5f: {  	v3 =	vld [tilespmem:s19+$0xFFFFFFA0];
	_ =	sdelay $0x3  }
0x60: {  	v4 =	vbroadcast v2, $0x2  }
0x61: {  	v5 =	vshll.u32 v3, $0x10  }
0x62: {  	v3 =	vand.u32 $0xFFFF0000, v3;
	v5 =	vmul.f32 v5, v4  }
0x63: {  	v3 =	vmul.f32 v3, v4  }
0x64: {  	[tilespmem:s6+$0xFFFFFF40] =	vst v5  }
0x65: {  	[tilespmem:s6+$0xFFFFFF50] =	vst v3  }
0x66: {  	v3 =	vld [tilespmem:s19+$0xFFFFFFB0];
	_ =	sdelay $0x3  }
0x67: {  	v4 =	vbroadcast v2, $0x3  }
0x68: {  	v5 =	vshll.u32 v3, $0x10  }
0x69: {  	v3 =	vand.u32 $0xFFFF0000, v3;
	v5 =	vmul.f32 v5, v4  }
0x6a: {  	v3 =	vmul.f32 v3, v4  }
0x6b: {  	[tilespmem:s6+$0xFFFFFF60] =	vst v5  }
0x6c: {  	[tilespmem:s6+$0xFFFFFF70] =	vst v3  }
0x6d: {  	v3 =	vld [tilespmem:s19+$0xFFFFFFC0];
	_ =	sdelay $0x3  }
0x6e: {  	v4 =	vbroadcast v2, $0x4  }
0x6f: {  	v5 =	vshll.u32 v3, $0x10  }
0x70: {  	v3 =	vand.u32 $0xFFFF0000, v3;
	v5 =	vmul.f32 v5, v4  }
0x71: {  	v3 =	vmul.f32 v3, v4  }
0x72: {  	[tilespmem:s6+$0xFFFFFF80] =	vst v5  }
0x73: {  	[tilespmem:s6+$0xFFFFFF90] =	vst v3  }
0x74: {  	v3 =	vld [tilespmem:s19+$0xFFFFFFD0];
	_ =	sdelay $0x3  }
0x75: {  	v4 =	vbroadcast v2, $0x5  }
0x76: {  	v5 =	vshll.u32 v3, $0x10  }
0x77: {  	v3 =	vand.u32 $0xFFFF0000, v3;
	v5 =	vmul.f32 v5, v4  }
0x78: {  	v3 =	vmul.f32 v3, v4  }
0x79: {  	[tilespmem:s6+$0xFFFFFFA0] =	vst v5  }
0x7a: {  	[tilespmem:s6+$0xFFFFFFB0] =	vst v3  }
0x7b: {  	v3 =	vld [tilespmem:s19+$0xFFFFFFE0];
	_ =	sdelay $0x3  }
0x7c: {  	v4 =	vbroadcast v2, $0x6  }
0x7d: {  	v5 =	vshll.u32 v3, $0x10  }
0x7e: {  	v3 =	vand.u32 $0xFFFF0000, v3;
	v5 =	vmul.f32 v5, v4  }
0x7f: {  	v3 =	vmul.f32 v3, v4  }
0x80: {  	[tilespmem:s6+$0xFFFFFFC0] =	vst v5  }
0x81: {  	[tilespmem:s6+$0xFFFFFFD0] =	vst v3  }
0x82: {  	v3 =	vld [tilespmem:s19+$0xFFFFFFF0];
	_ =	sdelay $0x3  }
0x83: {  	v4 =	vbroadcast v2, $0x7  }
0x84: {  	v5 =	vshll.u32 v3, $0x10  }
0x85: {  	v3 =	vand.u32 $0xFFFF0000, v3;
	v5 =	vmul.f32 v5, v4  }
0x86: {  	v3 =	vmul.f32 v3, v4  }
0x87: {  	[tilespmem:s6+$0xFFFFFFE0] =	vst v5  }
0x88: {  	[tilespmem:s6+$0xFFFFFFF0] =	vst v3  }
0x89: {  	v3 =	vld [tilespmem:s19+$0x0];
	_ =	sdelay $0x3  }
0x8a: {  	v4 =	vbroadcast v2, $0x8  }
0x8b: {  	v5 =	vshll.u32 v3, $0x10  }
0x8c: {  	v3 =	vand.u32 $0xFFFF0000, v3;
	v5 =	vmul.f32 v5, v4  }
0x8d: {  	v3 =	vmul.f32 v3, v4  }
0x8e: {  	[tilespmem:s6+$0x0] =	vst v5  }
0x8f: {  	[tilespmem:s6+$0x10] =	vst v3  }
0x90: {  	v3 =	vld [tilespmem:s19+$0x10];
	_ =	sdelay $0x3  }
0x91: {  	v4 =	vbroadcast v2, $0x9  }
0x92: {  	v5 =	vshll.u32 v3, $0x10  }
0x93: {  	v3 =	vand.u32 $0xFFFF0000, v3;
	v5 =	vmul.f32 v5, v4  }
0x94: {  	v3 =	vmul.f32 v3, v4  }
0x95: {  	[tilespmem:s6+$0x20] =	vst v5  }
0x96: {  	[tilespmem:s6+$0x30] =	vst v3  }
0x97: {  	v3 =	vld [tilespmem:s19+$0x20];
	_ =	sdelay $0x3  }
0x98: {  	v4 =	vbroadcast v2, $0xA  }
0x99: {  	v5 =	vshll.u32 v3, $0x10  }
0x9a: {  	v3 =	vand.u32 $0xFFFF0000, v3;
	v5 =	vmul.f32 v5, v4  }
0x9b: {  	v3 =	vmul.f32 v3, v4  }
0x9c: {  	[tilespmem:s6+$0x40] =	vst v5  }
0x9d: {  	[tilespmem:s6+$0x50] =	vst v3  }
0x9e: {  	v3 =	vld [tilespmem:s19+$0x30];
	_ =	sdelay $0x3  }
0x9f: {  	v4 =	vbroadcast v2, $0xB  }
0xa0: {  	v5 =	vshll.u32 v3, $0x10  }
0xa1: {  	v3 =	vand.u32 $0xFFFF0000, v3;
	v5 =	vmul.f32 v5, v4  }
0xa2: {  	v3 =	vmul.f32 v3, v4  }
0xa3: {  	[tilespmem:s6+$0x60] =	vst v5  }
0xa4: {  	[tilespmem:s6+$0x70] =	vst v3  }
0xa5: {  	v3 =	vld [tilespmem:s19+$0x40];
	_ =	sdelay $0x3  }
0xa6: {  	v4 =	vbroadcast v2, $0xC  }
0xa7: {  	v5 =	vshll.u32 v3, $0x10  }
0xa8: {  	v3 =	vand.u32 $0xFFFF0000, v3;
	v5 =	vmul.f32 v5, v4  }
0xa9: {  	v3 =	vmul.f32 v3, v4  }
0xaa: {  	[tilespmem:s6+$0x80] =	vst v5  }
0xab: {  	[tilespmem:s6+$0x90] =	vst v3  }
0xac: {  	v3 =	vld [tilespmem:s19+$0x50];
	_ =	sdelay $0x3  }
0xad: {  	v4 =	vbroadcast v2, $0xD  }
0xae: {  	v5 =	vshll.u32 v3, $0x10  }
0xaf: {  	v3 =	vand.u32 $0xFFFF0000, v3;
	v5 =	vmul.f32 v5, v4  }
0xb0: {  	v3 =	vmul.f32 v3, v4  }
0xb1: {  	[tilespmem:s6+$0xA0] =	vst v5  }
0xb2: {  	s7 =	sshll.u32 s30, $0x1;
	s8 =	sshll.u32 s30, $0xA;
	[tilespmem:s6+$0xB0] =	vst v3  }
0xb3: {  	s9 =	simm.s32 $0x8900;
	s10 =	simm.s32 $0x7880;
	s5 =	simm.s32 $0x40;
	v3 =	vbroadcast v2, $0xE;
	v2 =	vbroadcast v2, $0xF;
	v4 =	vld [tilespmem:s19+$0x60]  }
.LBB2_8:
0xb4: {  	_ =	sdelay $0x1  }
0xb5: {  	p2 =	sne.s32 s5, $0x1C0;
	s19 =	sadd.s32 $0x100, s19;
	s6 =	sadd.s32 $0x200, s6  }
0xb6: {  	s11 =	smov.u32 s5;
	s5 =	sadd.s32 $0x40, s5  }
0xb7: {  	v5 =	vshll.u32 v4, $0x10;
	v4 =	vand.u32 $0xFFFF0000, v4  }
0xb8: {  	v5 =	vmul.f32 v5, v3;
	v3 =	vmul.f32 v4, v3;
	_ =	sdelay $0x1  }
0xb9: {  	[tilespmem:s9+$0xC0] =	vst v5  }
0xba: {  	[tilespmem:s9+$0xD0] =	vst v3  }
0xbb: {  	v3 =	vld [tilespmem:s10+$0x70];
	s10 =	smov.u32 s19;
	_ =	sdelay $0x4  }
0xbc: {  	v4 =	vshll.u32 v3, $0x10;
	v3 =	vand.u32 $0xFFFF0000, v3  }
0xbd: {  	v4 =	vmul.f32 v4, v2;
	v2 =	vmul.f32 v3, v2;
	_ =	sdelay $0x1  }
0xbe: {  	[tilespmem:s9+$0xE0] =	vst v4  }
0xbf: {  	s11 =	sshra.s32 s11, $0x2;
	[tilespmem:s9+$0xF0] =	vst v2;
	s9 =	smov.u32 s6  }
0xc0: {  	v2 =	vld.idx.msk [tilespmem:v1+s11+$0x0 ss:$0x1], $0xffff;
	_ =	sdelay $0x1  }
0xc1: {  	v3 =	vld [tilespmem:s19+$0xFFFFFF80];
	_ =	sdelay $0x3  }
0xc2: {  	v4 =	vbroadcast v2, $0x0  }
0xc3: {  	v5 =	vshll.u32 v3, $0x10;
	v3 =	vand.u32 $0xFFFF0000, v3  }
0xc4: {  	v5 =	vmul.f32 v5, v4;
	v3 =	vmul.f32 v3, v4;
	_ =	sdelay $0x1  }
0xc5: {  	[tilespmem:s6+$0xFFFFFF00] =	vst v5  }
0xc6: {  	[tilespmem:s6+$0xFFFFFF10] =	vst v3  }
0xc7: {  	v3 =	vld [tilespmem:s19+$0xFFFFFF90];
	_ =	sdelay $0x2  }
0xc8: {  	v4 =	vbroadcast v2, $0x1;
	_ =	sdelay $0x1  }
0xc9: {  	v5 =	vshll.u32 v3, $0x10;
	v3 =	vand.u32 $0xFFFF0000, v3  }
0xca: {  	v5 =	vmul.f32 v5, v4;
	v3 =	vmul.f32 v3, v4;
	_ =	sdelay $0x1  }
0xcb: {  	[tilespmem:s6+$0xFFFFFF20] =	vst v5  }
0xcc: {  	[tilespmem:s6+$0xFFFFFF30] =	vst v3  }
0xcd: {  	v3 =	vld [tilespmem:s19+$0xFFFFFFA0];
	_ =	sdelay $0x1  }
0xce: {  	v4 =	vbroadcast v2, $0x2;
	_ =	sdelay $0x2  }
0xcf: {  	v5 =	vshll.u32 v3, $0x10;
	v3 =	vand.u32 $0xFFFF0000, v3  }
0xd0: {  	v5 =	vmul.f32 v5, v4;
	v3 =	vmul.f32 v3, v4;
	_ =	sdelay $0x1  }
0xd1: {  	[tilespmem:s6+$0xFFFFFF40] =	vst v5  }
0xd2: {  	[tilespmem:s6+$0xFFFFFF50] =	vst v3  }
0xd3: {  	v3 =	vld [tilespmem:s19+$0xFFFFFFB0]  }
0xd4: {  	v4 =	vbroadcast v2, $0x3;
	_ =	sdelay $0x3  }
0xd5: {  	v5 =	vshll.u32 v3, $0x10;
	v3 =	vand.u32 $0xFFFF0000, v3  }
0xd6: {  	v5 =	vmul.f32 v5, v4;
	v3 =	vmul.f32 v3, v4;
	_ =	sdelay $0x1  }
0xd7: {  	[tilespmem:s6+$0xFFFFFF60] =	vst v5  }
0xd8: {  	[tilespmem:s6+$0xFFFFFF70] =	vst v3  }
0xd9: {  	v4 =	vbroadcast v2, $0x4;
	v3 =	vld [tilespmem:s19+$0xFFFFFFC0];
	_ =	sdelay $0x4  }
0xda: {  	v5 =	vshll.u32 v3, $0x10;
	v3 =	vand.u32 $0xFFFF0000, v3  }
0xdb: {  	v5 =	vmul.f32 v5, v4;
	v3 =	vmul.f32 v3, v4;
	_ =	sdelay $0x1  }
0xdc: {  	[tilespmem:s6+$0xFFFFFF80] =	vst v5  }
0xdd: {  	[tilespmem:s6+$0xFFFFFF90] =	vst v3;
	v3 =	vbroadcast v2, $0x5  }
0xde: {  	v4 =	vld [tilespmem:s19+$0xFFFFFFD0];
	_ =	sdelay $0x4  }
0xdf: {  	v5 =	vshll.u32 v4, $0x10;
	v4 =	vand.u32 $0xFFFF0000, v4  }
0xe0: {  	v5 =	vmul.f32 v5, v3;
	v3 =	vmul.f32 v4, v3;
	_ =	sdelay $0x1  }
0xe1: {  	v4 =	vbroadcast v2, $0x6;
	[tilespmem:s6+$0xFFFFFFA0] =	vst v5  }
0xe2: {  	[tilespmem:s6+$0xFFFFFFB0] =	vst v3  }
0xe3: {  	v3 =	vld [tilespmem:s19+$0xFFFFFFE0];
	_ =	sdelay $0x4  }
0xe4: {  	v5 =	vshll.u32 v3, $0x10;
	v3 =	vand.u32 $0xFFFF0000, v3  }
0xe5: {  	v5 =	vmul.f32 v5, v4;
	v3 =	vmul.f32 v3, v4  }
0xe6: {  	v4 =	vbroadcast v2, $0x7  }
0xe7: {  	[tilespmem:s6+$0xFFFFFFC0] =	vst v5  }
0xe8: {  	[tilespmem:s6+$0xFFFFFFD0] =	vst v3  }
0xe9: {  	v3 =	vld [tilespmem:s19+$0xFFFFFFF0];
	_ =	sdelay $0x4  }
0xea: {  	v6 =	vbroadcast v2, $0x8;
	v5 =	vshll.u32 v3, $0x10;
	v3 =	vand.u32 $0xFFFF0000, v3  }
0xeb: {  	v5 =	vmul.f32 v5, v4;
	v3 =	vmul.f32 v3, v4;
	_ =	sdelay $0x1  }
0xec: {  	[tilespmem:s6+$0xFFFFFFE0] =	vst v5  }
0xed: {  	[tilespmem:s6+$0xFFFFFFF0] =	vst v3  }
0xee: {  	v3 =	vld [tilespmem:s19+$0x0];
	_ =	sdelay $0x4  }
0xef: {  	v5 =	vbroadcast v2, $0x9;
	v4 =	vshll.u32 v3, $0x10;
	v3 =	vand.u32 $0xFFFF0000, v3  }
0xf0: {  	v4 =	vmul.f32 v4, v6;
	v3 =	vmul.f32 v3, v6;
	_ =	sdelay $0x1  }
0xf1: {  	[tilespmem:s6+$0x0] =	vst v4  }
0xf2: {  	[tilespmem:s6+$0x10] =	vst v3  }
0xf3: {  	v3 =	vld [tilespmem:s19+$0x10];
	_ =	sdelay $0x3  }
0xf4: {  	v4 =	vbroadcast v2, $0xA  }
0xf5: {  	v6 =	vshll.u32 v3, $0x10;
	v3 =	vand.u32 $0xFFFF0000, v3  }
0xf6: {  	v6 =	vmul.f32 v6, v5;
	v3 =	vmul.f32 v3, v5;
	_ =	sdelay $0x1  }
0xf7: {  	[tilespmem:s6+$0x20] =	vst v6  }
0xf8: {  	[tilespmem:s6+$0x30] =	vst v3  }
0xf9: {  	v3 =	vld [tilespmem:s19+$0x20];
	_ =	sdelay $0x2  }
0xfa: {  	v5 =	vbroadcast v2, $0xB;
	_ =	sdelay $0x1  }
0xfb: {  	v6 =	vshll.u32 v3, $0x10;
	v3 =	vand.u32 $0xFFFF0000, v3  }
0xfc: {  	v6 =	vmul.f32 v6, v4;
	v3 =	vmul.f32 v3, v4;
	_ =	sdelay $0x1  }
0xfd: {  	[tilespmem:s6+$0x40] =	vst v6  }
0xfe: {  	[tilespmem:s6+$0x50] =	vst v3  }
0xff: {  	v3 =	vld [tilespmem:s19+$0x30];
	_ =	sdelay $0x1  }
0x100: {  	v4 =	vbroadcast v2, $0xC;
	_ =	sdelay $0x2  }
0x101: {  	v6 =	vshll.u32 v3, $0x10;
	v3 =	vand.u32 $0xFFFF0000, v3  }
0x102: {  	v6 =	vmul.f32 v6, v5;
	v3 =	vmul.f32 v3, v5;
	_ =	sdelay $0x1  }
0x103: {  	[tilespmem:s6+$0x60] =	vst v6  }
0x104: {  	[tilespmem:s6+$0x70] =	vst v3  }
0x105: {  	v3 =	vld [tilespmem:s19+$0x40]  }
0x106: {  	v5 =	vbroadcast v2, $0xD;
	_ =	sdelay $0x3  }
0x107: {  	v6 =	vshll.u32 v3, $0x10;
	v3 =	vand.u32 $0xFFFF0000, v3  }
0x108: {  	v6 =	vmul.f32 v6, v4;
	v3 =	vmul.f32 v3, v4;
	_ =	sdelay $0x1  }
0x109: {  	[tilespmem:s6+$0x80] =	vst v6  }
0x10a: {  	[tilespmem:s6+$0x90] =	vst v3  }
0x10b: {  	v3 =	vbroadcast v2, $0xE;
	v4 =	vld [tilespmem:s19+$0x50];
	_ =	sdelay $0x4  }
0x10c: {  	v6 =	vshll.u32 v4, $0x10;
	v4 =	vand.u32 $0xFFFF0000, v4  }
.Ltmp3:
0x10d: {  	v6 =	vmul.f32 v6, v5;
	v4 =	vmul.f32 v4, v5;
	(pc) =	sbr.rel @p2 .LBB2_8-.Ltmp3, $4  }
0x10e: {  	_ = 	snop  }
0x10f: {  	[tilespmem:s6+$0xA0] =	vst v6  }
0x110: {  	v2 =	vbroadcast v2, $0xF;
	[tilespmem:s6+$0xB0] =	vst v4  }
0x111: {  	v4 =	vld [tilespmem:s19+$0x60]  }
0x112: {  	_ =	sdelay $0x3  }
0x113: {  	v1 =	vshll.u32 v4, $0x10  }
0x114: {  	v4 =	vand.u32 $0xFFFF0000, v4;
	v1 =	vmul.f32 v1, v3  }
0x115: {  	v3 =	vmul.f32 v4, v3  }
0x116: {  	[tilespmem:s9+$0xC0] =	vst v1  }
0x117: {  	[tilespmem:s9+$0xD0] =	vst v3  }
0x118: {  	v1 =	vld [tilespmem:s10+$0x70];
	_ =	sdelay $0x4  }
0x119: {  	v3 =	vshll.u32 v1, $0x10  }
0x11a: {  	v1 =	vand.u32 $0xFFFF0000, v1;
	v3 =	vmul.f32 v3, v2  }
0x11b: {  	v1 =	vmul.f32 v1, v2  }
0x11c: {  	s5 =	sshrl.u32 s8, $0x2;
	[tilespmem:s9+$0xE0] =	vst v3  }
0x11d: {  	s5 =	sadd.s32 $0x2800, s5;
	s10 =	smin.u32 s7, $0x4D;
	[tilespmem:s9+$0xF0] =	vst v1  }
0x11e: {  	[spmem:s2] =	stream.indirect.scatter.add.f32 [tilespmem:s24], [sflag:$0x3], $0x20, s5, s20, $0xb8;
	[tilespmem:$0xF800] =	vst v63  }
0x11f: {  	s5 =	sshll.u32 s10, $0x7  }
0x120: {  	s5 =	sadd.s32 $0x100, s5  }
0x121: {  	[tilespmem:s21], [sflag:$0x1] =	stream.indirect.gather [hbm4b:s4+s20], $0x10, s5, s20, $0xb8;
	[tilespmem:$0xF800] =	vst v63  }
0x122: {  	_ =	swait.ge [sflag:s25], $0x800  }
0x123: {  	v1 =	vmov s1;
	[sflag:s25] =	ssyncset.done $0x0  }
0x124: {  	s5 =	simm.s32 @!p1 $0x4;
	[sflag:s25] =	ssyncadd.s32 $0xFFFFF800  }
0x125: {  	_ =	swait.ge @!p1 [sflag:s5], $0x1000  }
0x126: {  	[sflag:s5] =	ssyncset.done @!p1 $0x0  }
0x127: {  	s11 =	simm.s32 $0x0;
	[sflag:s5] =	ssyncadd.s32 @!p1 $0xFFFFF000  }
0x128: {  	s19 =	simm.s32 $0x8080;
	v2 =	vld.idx.msk [tilespmem:v1+s11+$0x0 ss:$0x1], $0xffff  }
0x129: {  	v3 =	vld [tilespmem:s19+$0xFFFFFF80];
	_ =	sdelay $0x3  }
0x12a: {  	v4 =	vbroadcast v2, $0x0  }
0x12b: {  	v5 =	vshll.u32 v3, $0x10  }
0x12c: {  	v3 =	vand.u32 $0xFFFF0000, v3;
	v5 =	vmul.f32 v5, v4  }
0x12d: {  	s6 =	simm.s32 $0x9900;
	v3 =	vmul.f32 v3, v4  }
0x12e: {  	[tilespmem:s6+$0xFFFFFF00] =	vst v5  }
0x12f: {  	[tilespmem:s6+$0xFFFFFF10] =	vst v3  }
0x130: {  	v3 =	vld [tilespmem:s19+$0xFFFFFF90];
	_ =	sdelay $0x3  }
0x131: {  	v4 =	vbroadcast v2, $0x1  }
0x132: {  	v5 =	vshll.u32 v3, $0x10  }
0x133: {  	v3 =	vand.u32 $0xFFFF0000, v3;
	v5 =	vmul.f32 v5, v4  }
0x134: {  	v3 =	vmul.f32 v3, v4  }
0x135: {  	[tilespmem:s6+$0xFFFFFF20] =	vst v5  }
0x136: {  	[tilespmem:s6+$0xFFFFFF30] =	vst v3  }
0x137: {  	v3 =	vld [tilespmem:s19+$0xFFFFFFA0];
	_ =	sdelay $0x3  }
0x138: {  	v4 =	vbroadcast v2, $0x2  }
0x139: {  	v5 =	vshll.u32 v3, $0x10  }
0x13a: {  	v3 =	vand.u32 $0xFFFF0000, v3;
	v5 =	vmul.f32 v5, v4  }
0x13b: {  	v3 =	vmul.f32 v3, v4  }
0x13c: {  	[tilespmem:s6+$0xFFFFFF40] =	vst v5  }
0x13d: {  	[tilespmem:s6+$0xFFFFFF50] =	vst v3  }
0x13e: {  	v3 =	vld [tilespmem:s19+$0xFFFFFFB0];
	_ =	sdelay $0x3  }
0x13f: {  	v4 =	vbroadcast v2, $0x3  }
0x140: {  	v5 =	vshll.u32 v3, $0x10  }
0x141: {  	v3 =	vand.u32 $0xFFFF0000, v3;
	v5 =	vmul.f32 v5, v4  }
0x142: {  	v3 =	vmul.f32 v3, v4  }
0x143: {  	[tilespmem:s6+$0xFFFFFF60] =	vst v5  }
0x144: {  	[tilespmem:s6+$0xFFFFFF70] =	vst v3  }
0x145: {  	v3 =	vld [tilespmem:s19+$0xFFFFFFC0];
	_ =	sdelay $0x3  }
0x146: {  	v4 =	vbroadcast v2, $0x4  }
0x147: {  	v5 =	vshll.u32 v3, $0x10  }
0x148: {  	v3 =	vand.u32 $0xFFFF0000, v3;
	v5 =	vmul.f32 v5, v4  }
0x149: {  	v3 =	vmul.f32 v3, v4  }
0x14a: {  	[tilespmem:s6+$0xFFFFFF80] =	vst v5  }
0x14b: {  	[tilespmem:s6+$0xFFFFFF90] =	vst v3  }
0x14c: {  	v3 =	vld [tilespmem:s19+$0xFFFFFFD0];
	_ =	sdelay $0x3  }
0x14d: {  	v4 =	vbroadcast v2, $0x5  }
0x14e: {  	v5 =	vshll.u32 v3, $0x10  }
0x14f: {  	v3 =	vand.u32 $0xFFFF0000, v3;
	v5 =	vmul.f32 v5, v4  }
0x150: {  	v3 =	vmul.f32 v3, v4  }
0x151: {  	[tilespmem:s6+$0xFFFFFFA0] =	vst v5  }
0x152: {  	[tilespmem:s6+$0xFFFFFFB0] =	vst v3  }
0x153: {  	v3 =	vld [tilespmem:s19+$0xFFFFFFE0];
	_ =	sdelay $0x3  }
0x154: {  	v4 =	vbroadcast v2, $0x6  }
0x155: {  	v5 =	vshll.u32 v3, $0x10  }
0x156: {  	v3 =	vand.u32 $0xFFFF0000, v3;
	v5 =	vmul.f32 v5, v4  }
0x157: {  	v3 =	vmul.f32 v3, v4  }
0x158: {  	[tilespmem:s6+$0xFFFFFFC0] =	vst v5  }
0x159: {  	[tilespmem:s6+$0xFFFFFFD0] =	vst v3  }
0x15a: {  	v3 =	vld [tilespmem:s19+$0xFFFFFFF0];
	_ =	sdelay $0x3  }
0x15b: {  	v4 =	vbroadcast v2, $0x7  }
0x15c: {  	v5 =	vshll.u32 v3, $0x10  }
0x15d: {  	v3 =	vand.u32 $0xFFFF0000, v3;
	v5 =	vmul.f32 v5, v4  }
0x15e: {  	v3 =	vmul.f32 v3, v4  }
0x15f: {  	[tilespmem:s6+$0xFFFFFFE0] =	vst v5  }
0x160: {  	[tilespmem:s6+$0xFFFFFFF0] =	vst v3  }
0x161: {  	v3 =	vld [tilespmem:s19+$0x0];
	_ =	sdelay $0x3  }
0x162: {  	v4 =	vbroadcast v2, $0x8  }
0x163: {  	v5 =	vshll.u32 v3, $0x10  }
0x164: {  	v3 =	vand.u32 $0xFFFF0000, v3;
	v5 =	vmul.f32 v5, v4  }
0x165: {  	v3 =	vmul.f32 v3, v4  }
0x166: {  	[tilespmem:s6+$0x0] =	vst v5  }
0x167: {  	[tilespmem:s6+$0x10] =	vst v3  }
0x168: {  	v3 =	vld [tilespmem:s19+$0x10];
	_ =	sdelay $0x3  }
0x169: {  	v4 =	vbroadcast v2, $0x9  }
0x16a: {  	v5 =	vshll.u32 v3, $0x10  }
0x16b: {  	v3 =	vand.u32 $0xFFFF0000, v3;
	v5 =	vmul.f32 v5, v4  }
0x16c: {  	v3 =	vmul.f32 v3, v4  }
0x16d: {  	[tilespmem:s6+$0x20] =	vst v5  }
0x16e: {  	[tilespmem:s6+$0x30] =	vst v3  }
0x16f: {  	v3 =	vld [tilespmem:s19+$0x20];
	_ =	sdelay $0x3  }
0x170: {  	v4 =	vbroadcast v2, $0xA  }
0x171: {  	v5 =	vshll.u32 v3, $0x10  }
0x172: {  	v3 =	vand.u32 $0xFFFF0000, v3;
	v5 =	vmul.f32 v5, v4  }
0x173: {  	v3 =	vmul.f32 v3, v4  }
0x174: {  	[tilespmem:s6+$0x40] =	vst v5  }
0x175: {  	[tilespmem:s6+$0x50] =	vst v3  }
0x176: {  	v3 =	vld [tilespmem:s19+$0x30];
	_ =	sdelay $0x3  }
0x177: {  	v4 =	vbroadcast v2, $0xB  }
0x178: {  	v5 =	vshll.u32 v3, $0x10  }
0x179: {  	v3 =	vand.u32 $0xFFFF0000, v3;
	v5 =	vmul.f32 v5, v4  }
0x17a: {  	v3 =	vmul.f32 v3, v4  }
0x17b: {  	[tilespmem:s6+$0x60] =	vst v5  }
0x17c: {  	[tilespmem:s6+$0x70] =	vst v3  }
0x17d: {  	v3 =	vld [tilespmem:s19+$0x40];
	_ =	sdelay $0x3  }
0x17e: {  	v4 =	vbroadcast v2, $0xC  }
0x17f: {  	v5 =	vshll.u32 v3, $0x10  }
0x180: {  	v3 =	vand.u32 $0xFFFF0000, v3;
	v5 =	vmul.f32 v5, v4  }
0x181: {  	v3 =	vmul.f32 v3, v4  }
0x182: {  	[tilespmem:s6+$0x80] =	vst v5  }
0x183: {  	[tilespmem:s6+$0x90] =	vst v3  }
0x184: {  	v3 =	vld [tilespmem:s19+$0x50];
	_ =	sdelay $0x3  }
0x185: {  	v4 =	vbroadcast v2, $0xD  }
0x186: {  	v5 =	vshll.u32 v3, $0x10  }
0x187: {  	v3 =	vand.u32 $0xFFFF0000, v3;
	v5 =	vmul.f32 v5, v4  }
0x188: {  	v3 =	vmul.f32 v3, v4  }
0x189: {  	[tilespmem:s6+$0xA0] =	vst v5  }
0x18a: {  	[tilespmem:s6+$0xB0] =	vst v3  }
0x18b: {  	s8 =	simm.s32 $0x8080;
	s7 =	simm.s32 $0x9900;
	s5 =	simm.s32 $0x40;
	v3 =	vbroadcast v2, $0xE;
	v2 =	vbroadcast v2, $0xF;
	v4 =	vld [tilespmem:s19+$0x60]  }
.LBB2_10:
0x18c: {  	_ =	sdelay $0x1  }
0x18d: {  	p1 =	sne.s32 s5, $0x1C0;
	s19 =	sadd.s32 $0x100, s19;
	s6 =	sadd.s32 $0x200, s6  }
0x18e: {  	s9 =	smov.u32 s5;
	s5 =	sadd.s32 $0x40, s5  }
0x18f: {  	v5 =	vshll.u32 v4, $0x10;
	v4 =	vand.u32 $0xFFFF0000, v4  }
0x190: {  	v5 =	vmul.f32 v5, v3;
	v3 =	vmul.f32 v4, v3;
	_ =	sdelay $0x1  }
0x191: {  	[tilespmem:s7+$0xC0] =	vst v5  }
0x192: {  	[tilespmem:s7+$0xD0] =	vst v3  }
0x193: {  	v3 =	vld [tilespmem:s8+$0x70];
	s8 =	smov.u32 s19;
	_ =	sdelay $0x4  }
0x194: {  	v4 =	vshll.u32 v3, $0x10;
	v3 =	vand.u32 $0xFFFF0000, v3  }
0x195: {  	v4 =	vmul.f32 v4, v2;
	v2 =	vmul.f32 v3, v2;
	_ =	sdelay $0x1  }
0x196: {  	[tilespmem:s7+$0xE0] =	vst v4  }
0x197: {  	s9 =	sshra.s32 s9, $0x2;
	[tilespmem:s7+$0xF0] =	vst v2;
	s7 =	smov.u32 s6  }
0x198: {  	v2 =	vld.idx.msk [tilespmem:v1+s9+$0x0 ss:$0x1], $0xffff;
	_ =	sdelay $0x1  }
0x199: {  	v3 =	vld [tilespmem:s19+$0xFFFFFF80];
	_ =	sdelay $0x3  }
0x19a: {  	v4 =	vbroadcast v2, $0x0  }
0x19b: {  	v5 =	vshll.u32 v3, $0x10;
	v3 =	vand.u32 $0xFFFF0000, v3  }
0x19c: {  	v5 =	vmul.f32 v5, v4;
	v3 =	vmul.f32 v3, v4;
	_ =	sdelay $0x1  }
0x19d: {  	[tilespmem:s6+$0xFFFFFF00] =	vst v5  }
0x19e: {  	[tilespmem:s6+$0xFFFFFF10] =	vst v3  }
0x19f: {  	v3 =	vld [tilespmem:s19+$0xFFFFFF90];
	_ =	sdelay $0x2  }
0x1a0: {  	v4 =	vbroadcast v2, $0x1;
	_ =	sdelay $0x1  }
0x1a1: {  	v5 =	vshll.u32 v3, $0x10;
	v3 =	vand.u32 $0xFFFF0000, v3  }
0x1a2: {  	v5 =	vmul.f32 v5, v4;
	v3 =	vmul.f32 v3, v4;
	_ =	sdelay $0x1  }
0x1a3: {  	[tilespmem:s6+$0xFFFFFF20] =	vst v5  }
0x1a4: {  	[tilespmem:s6+$0xFFFFFF30] =	vst v3  }
0x1a5: {  	v3 =	vld [tilespmem:s19+$0xFFFFFFA0];
	_ =	sdelay $0x1  }
0x1a6: {  	v4 =	vbroadcast v2, $0x2;
	_ =	sdelay $0x2  }
0x1a7: {  	v5 =	vshll.u32 v3, $0x10;
	v3 =	vand.u32 $0xFFFF0000, v3  }
0x1a8: {  	v5 =	vmul.f32 v5, v4;
	v3 =	vmul.f32 v3, v4;
	_ =	sdelay $0x1  }
0x1a9: {  	[tilespmem:s6+$0xFFFFFF40] =	vst v5  }
0x1aa: {  	[tilespmem:s6+$0xFFFFFF50] =	vst v3  }
0x1ab: {  	v3 =	vld [tilespmem:s19+$0xFFFFFFB0]  }
0x1ac: {  	v4 =	vbroadcast v2, $0x3;
	_ =	sdelay $0x3  }
0x1ad: {  	v5 =	vshll.u32 v3, $0x10;
	v3 =	vand.u32 $0xFFFF0000, v3  }
0x1ae: {  	v5 =	vmul.f32 v5, v4;
	v3 =	vmul.f32 v3, v4;
	_ =	sdelay $0x1  }
0x1af: {  	[tilespmem:s6+$0xFFFFFF60] =	vst v5  }
0x1b0: {  	[tilespmem:s6+$0xFFFFFF70] =	vst v3  }
0x1b1: {  	v4 =	vbroadcast v2, $0x4;
	v3 =	vld [tilespmem:s19+$0xFFFFFFC0];
	_ =	sdelay $0x4  }
0x1b2: {  	v5 =	vshll.u32 v3, $0x10;
	v3 =	vand.u32 $0xFFFF0000, v3  }
0x1b3: {  	v5 =	vmul.f32 v5, v4;
	v3 =	vmul.f32 v3, v4;
	_ =	sdelay $0x1  }
0x1b4: {  	[tilespmem:s6+$0xFFFFFF80] =	vst v5  }
0x1b5: {  	[tilespmem:s6+$0xFFFFFF90] =	vst v3;
	v3 =	vbroadcast v2, $0x5  }
0x1b6: {  	v4 =	vld [tilespmem:s19+$0xFFFFFFD0];
	_ =	sdelay $0x4  }
0x1b7: {  	v5 =	vshll.u32 v4, $0x10;
	v4 =	vand.u32 $0xFFFF0000, v4  }
0x1b8: {  	v5 =	vmul.f32 v5, v3;
	v3 =	vmul.f32 v4, v3;
	_ =	sdelay $0x1  }
0x1b9: {  	v4 =	vbroadcast v2, $0x6;
	[tilespmem:s6+$0xFFFFFFA0] =	vst v5  }
0x1ba: {  	[tilespmem:s6+$0xFFFFFFB0] =	vst v3  }
0x1bb: {  	v3 =	vld [tilespmem:s19+$0xFFFFFFE0];
	_ =	sdelay $0x4  }
0x1bc: {  	v5 =	vshll.u32 v3, $0x10;
	v3 =	vand.u32 $0xFFFF0000, v3  }
0x1bd: {  	v5 =	vmul.f32 v5, v4;
	v3 =	vmul.f32 v3, v4  }
0x1be: {  	v4 =	vbroadcast v2, $0x7  }
0x1bf: {  	[tilespmem:s6+$0xFFFFFFC0] =	vst v5  }
0x1c0: {  	[tilespmem:s6+$0xFFFFFFD0] =	vst v3  }
0x1c1: {  	v3 =	vld [tilespmem:s19+$0xFFFFFFF0];
	_ =	sdelay $0x4  }
0x1c2: {  	v6 =	vbroadcast v2, $0x8;
	v5 =	vshll.u32 v3, $0x10;
	v3 =	vand.u32 $0xFFFF0000, v3  }
0x1c3: {  	v5 =	vmul.f32 v5, v4;
	v3 =	vmul.f32 v3, v4;
	_ =	sdelay $0x1  }
0x1c4: {  	[tilespmem:s6+$0xFFFFFFE0] =	vst v5  }
0x1c5: {  	[tilespmem:s6+$0xFFFFFFF0] =	vst v3  }
0x1c6: {  	v3 =	vld [tilespmem:s19+$0x0];
	_ =	sdelay $0x4  }
0x1c7: {  	v5 =	vbroadcast v2, $0x9;
	v4 =	vshll.u32 v3, $0x10;
	v3 =	vand.u32 $0xFFFF0000, v3  }
0x1c8: {  	v4 =	vmul.f32 v4, v6;
	v3 =	vmul.f32 v3, v6;
	_ =	sdelay $0x1  }
0x1c9: {  	[tilespmem:s6+$0x0] =	vst v4  }
0x1ca: {  	[tilespmem:s6+$0x10] =	vst v3  }
0x1cb: {  	v3 =	vld [tilespmem:s19+$0x10];
	_ =	sdelay $0x3  }
0x1cc: {  	v4 =	vbroadcast v2, $0xA  }
0x1cd: {  	v6 =	vshll.u32 v3, $0x10;
	v3 =	vand.u32 $0xFFFF0000, v3  }
0x1ce: {  	v6 =	vmul.f32 v6, v5;
	v3 =	vmul.f32 v3, v5;
	_ =	sdelay $0x1  }
0x1cf: {  	[tilespmem:s6+$0x20] =	vst v6  }
0x1d0: {  	[tilespmem:s6+$0x30] =	vst v3  }
0x1d1: {  	v3 =	vld [tilespmem:s19+$0x20];
	_ =	sdelay $0x2  }
0x1d2: {  	v5 =	vbroadcast v2, $0xB;
	_ =	sdelay $0x1  }
0x1d3: {  	v6 =	vshll.u32 v3, $0x10;
	v3 =	vand.u32 $0xFFFF0000, v3  }
0x1d4: {  	v6 =	vmul.f32 v6, v4;
	v3 =	vmul.f32 v3, v4;
	_ =	sdelay $0x1  }
0x1d5: {  	[tilespmem:s6+$0x40] =	vst v6  }
0x1d6: {  	[tilespmem:s6+$0x50] =	vst v3  }
0x1d7: {  	v3 =	vld [tilespmem:s19+$0x30];
	_ =	sdelay $0x1  }
0x1d8: {  	v4 =	vbroadcast v2, $0xC;
	_ =	sdelay $0x2  }
0x1d9: {  	v6 =	vshll.u32 v3, $0x10;
	v3 =	vand.u32 $0xFFFF0000, v3  }
0x1da: {  	v6 =	vmul.f32 v6, v5;
	v3 =	vmul.f32 v3, v5;
	_ =	sdelay $0x1  }
0x1db: {  	[tilespmem:s6+$0x60] =	vst v6  }
0x1dc: {  	[tilespmem:s6+$0x70] =	vst v3  }
0x1dd: {  	v3 =	vld [tilespmem:s19+$0x40]  }
0x1de: {  	v5 =	vbroadcast v2, $0xD;
	_ =	sdelay $0x3  }
0x1df: {  	v6 =	vshll.u32 v3, $0x10;
	v3 =	vand.u32 $0xFFFF0000, v3  }
0x1e0: {  	v6 =	vmul.f32 v6, v4;
	v3 =	vmul.f32 v3, v4;
	_ =	sdelay $0x1  }
0x1e1: {  	[tilespmem:s6+$0x80] =	vst v6  }
0x1e2: {  	[tilespmem:s6+$0x90] =	vst v3  }
0x1e3: {  	v3 =	vbroadcast v2, $0xE;
	v4 =	vld [tilespmem:s19+$0x50];
	_ =	sdelay $0x4  }
0x1e4: {  	v6 =	vshll.u32 v4, $0x10;
	v4 =	vand.u32 $0xFFFF0000, v4  }
.Ltmp4:
0x1e5: {  	v6 =	vmul.f32 v6, v5;
	v4 =	vmul.f32 v4, v5;
	(pc) =	sbr.rel @p1 .LBB2_10-.Ltmp4, $4  }
0x1e6: {  	_ = 	snop  }
0x1e7: {  	[tilespmem:s6+$0xA0] =	vst v6  }
0x1e8: {  	v2 =	vbroadcast v2, $0xF;
	[tilespmem:s6+$0xB0] =	vst v4  }
0x1e9: {  	v4 =	vld [tilespmem:s19+$0x60]  }
0x1ea: {  	_ =	sdelay $0x3  }
0x1eb: {  	v1 =	vshll.u32 v4, $0x10  }
0x1ec: {  	v63 =	vand.u32 $0xFFFF0000, v4;
	v1 =	vmul.f32 v1, v3  }
0x1ed: {  	v3 =	vmul.f32 v63, v3  }
0x1ee: {  	[tilespmem:s7+$0xC0] =	vst v1  }
0x1ef: {  	[tilespmem:s7+$0xD0] =	vst v3  }
0x1f0: {  	v1 =	vld [tilespmem:s8+$0x70];
	_ =	sdelay $0x3  }
0x1f1: {  	s30 =	sadd.s32 $0x1, s30  }
0x1f2: {  	p1 =	sne.s32 s30, $0x28;
	v3 =	vshll.u32 v1, $0x10  }
.Ltmp5:
0x1f3: {  	v1 =	vand.u32 $0xFFFF0000, v1;
	v3 =	vmul.f32 v3, v2;
	(pc) =	sbr.rel @p1 .LBB2_7-.Ltmp5, $4  }
0x1f4: {  	v1 =	vmul.f32 v1, v2  }
0x1f5: {  	[tilespmem:s7+$0xE0] =	vst v3  }
0x1f6: {  	s0 =	sadd.s32 $0x2800, s0;
	s31 =	sadd.s32 $0x100, s31;
	s1 =	sadd.s32 $0x100, s1;
	[tilespmem:s7+$0xF0] =	vst v1  }
0x1f7: {  	[spmem:s2] =	stream.indirect.scatter.add.f32 [tilespmem:s26], [sflag:$0x4], $0x20, s0, s20, $0xb8;
	[tilespmem:$0xF800] =	vst v63  }
0x1f8: {  	_ =	swait.ge [sflag:s23], $0x800  }
0x1f9: {  	[sflag:s23] =	ssyncset.done $0x0  }
0x1fa: {  	[sflag:s23] =	ssyncadd.s32 $0xFFFFF800  }
0x1fb: {  	_ =	swait.ge [sflag:s28], $0x1000  }
0x1fc: {  	[sflag:s28] =	ssyncset.done $0x0  }
0x1fd: {  	[sflag:s28] =	ssyncadd.s32 $0xFFFFF000  }
0x1fe: {  	_ =	swait.ge [sflag:s29], $0x1000  }
0x1ff: {  	s3 =	sadd.s32 $0x1, s3;
	[sflag:s29] =	ssyncset.done $0x0  }
0x200: {  	p1 =	sne.s32 s3, s15;
	[sflag:s29] =	ssyncadd.s32 $0xFFFFF000  }
.Ltmp6:
0x201: {  	[bflag:$0x0] =	sbarrier.arrive $0xFFFF;
	(pc) =	sbr.rel @p1 .LBB2_1-.Ltmp6, $4  }
0x202: {  	[hbm:s14], [sflag:s16] =	dma.local [spmem:s17], $0xA00  }
0x203: {  	_ =	swait.ge [sflag:s18], $0xA00  }
0x204: {  	[sflag:s18] =	ssyncset.done $0x0  }
0x205: {  	[sflag:s18] =	ssyncadd.s32 $0xFFFFF600  }
0x206: {  	_ =	sfence.sel $0x180000  }
0x207: {  	[bflag:$0x0] =	sbarrier.arrive $0xFFFF  }
0x208: {  	_ =	strace $0x90000047  }
0x209: {  	s0 =	stileid.u32;
	[bflag:$0x2] =	sbarrier.arrive $0xFFFF  }
0x20a: {  	p0 =	sne.s32 s0, $0x0;
	s0 =	rddreg [dreg:$0x2]  }
0x20b: {  	s0 =	sadd.s32 @!p0 $0x100000, s0  }
0x20c: {  	[sflag:s0] =	ssyncadd.tile.s32 @!p0 $0x1;
	_ =	shalt  }
.Lfunc_end2:
_tile_overlayer_lowered:
.L_overlay_start_2:
0x20d: {  	(tag) =	ssettag $0x2  }
0x20e: {  	s0 =	rddreg [dreg:$0x0];
	s2 =	stileid.u32  }
0x20f: {  	s1 =	rddreg [dreg:$0x1];
	p0 =	sne.s32 s2, $0x0  }
0x210: {  	s3 =	rddreg [dreg:$0x2];
	[bflag:$0x3] =	sbarrier.arrive $0xFFFF;
	s2 =	simm.s32 @!p0 $0x1C05  }
0x211: {  	[timem:s3], [sflag:s2] =	dma.local @!p0 [hbm:s0], s1  }
0x212: {  	s0 =	simm.s32 @!p0 $0x5  }
0x213: {  	_ =	swait.ge @!p0 [sflag:s0], s1  }
0x214: {  	s1 =	ssub.s32 @!p0 $0x0, s1;
	[sflag:s0] =	ssyncset.done @!p0 $0x0  }
0x215: {  	[sflag:s0] =	ssyncadd.s32 @!p0 s1  }
0x216: {  	[bflag:$0x3] =	sbarrier.arrive $0xFFFF  }
0x217: {  	_ =	shalt  }

</sc_bundles>
